<compile_context>
chip_gen: v7x
topology: tpu7x:2x2x1
jax: 0.10.2.dev20260603
libtpu: 0.0.44.dev20260713+nightly
codegen_flags: <defaults>
</compile_context>

<pallas_src>
import jax
import jax.numpy as jnp
from jax import lax
from jax.experimental import pallas as pl
from jax.experimental.pallas import tpu as pltpu
from jax.experimental.pallas import tpu_sc as plsc

_N = 100
_D = 16
_S = 20
_B = 1024
_K = 4
_TILES = _S * _N
_NW = 32
_BASE_T = _TILES // _NW
_EXTRA = _TILES - _BASE_T * _NW


def _sc_kernel(conc_hbm, embx_hbm, out_hbm, conc_v, embx_v, buf_v, sems):
    wid = lax.axis_index("s") * 2 + lax.axis_index("c")
    is_small = (_NW - 1 - wid) // _EXTRA
    t0 = wid * _BASE_T + is_small * wid + (1 - is_small) * _EXTRA
    tend = t0 + _BASE_T + is_small

    pltpu.sync_copy(embx_hbm, embx_v)
    pltpu.sync_copy(conc_hbm.at[t0 // _N], conc_v)

    def compute_tile(t, slot):
        s = t // _N
        n = t - s * _N

        @pl.when((t > t0) & (n == 0))
        def _load_conc():
            pltpu.sync_copy(conc_hbm.at[s], conc_v)

        @pl.when(t >= t0 + 2)
        def _wait_slot():
            pltpu.make_async_copy(
                buf_v.at[slot], out_hbm.at[s, n], sems.at[slot]
            ).wait()

        splats = []
        for d in range(_D):
            splats.append(embx_v[pl.ds((n * _D + d) * _D, _D)])

        @plsc.parallel_loop(0, _B // 16, unroll=4)
        def b_body(j):
            off = j * 16
            c0 = conc_v[0, pl.ds(off, 16)]
            c1 = conc_v[1, pl.ds(off, 16)]
            c2 = conc_v[2, pl.ds(off, 16)]
            c3 = conc_v[3, pl.ds(off, 16)]
            miss = (
                jnp.minimum(jnp.abs(c0 - n), 1)
                + jnp.minimum(jnp.abs(c1 - n), 1)
                + jnp.minimum(jnp.abs(c2 - n), 1)
                + jnp.minimum(jnp.abs(c3 - n), 1)
            )
            cnt = (_K - miss).astype(jnp.float32)
            for d in range(_D):
                buf_v[slot, d, pl.ds(off, 16)] = cnt * splats[d]

        pltpu.make_async_copy(
            buf_v.at[slot], out_hbm.at[s, n], sems.at[slot]
        ).start()

    def pair_body(i, carry):
        t = t0 + 2 * i

        @pl.when(t < tend)
        def _even():
            compute_tile(t, 0)

        @pl.when(t + 1 < tend)
        def _odd():
            compute_tile(t + 1, 1)

        return carry

    lax.fori_loop(0, (_BASE_T + 2) // 2, pair_body, 0)

    for j in range(2):
        pltpu.make_async_copy(buf_v.at[j], out_hbm.at[0, 0], sems.at[j]).wait()


def kernel(concepts, emb_table_skill):
    b, s, k = concepts.shape
    conc_t = jnp.transpose(concepts.astype(jnp.int32), (1, 2, 0))
    embx = jnp.broadcast_to(
        emb_table_skill.reshape(-1)[:, None], ((_N + 1) * _D, _D)
    ).reshape(-1)

    mesh = plsc.VectorSubcoreMesh(core_axis_name="c", subcore_axis_name="s")
    run = pl.kernel(
        _sc_kernel,
        out_type=jax.ShapeDtypeStruct((_S, _N, _D, _B), jnp.float32),
        mesh=mesh,
        scratch_types=[
            pltpu.VMEM((_K, _B), jnp.int32),
            pltpu.VMEM(((_N + 1) * _D * _D,), jnp.float32),
            pltpu.VMEM((2, _D, _B), jnp.float32),
            pltpu.SemaphoreType.DMA((2,)),
        ],
    )
    out_t = run(conc_t, embx)
    return jnp.transpose(out_t, (3, 0, 1, 2))

# --- scband reference (transcript-rebuilt; emitter-appended) ---
"""Pipeline reference for scband-concept-intergation-54090818126192 (READ-ONLY COPY).

The authoritative reference and input builder live on the scoring server;
editing this copy changes nothing except your own understanding.
"""

import jax, jax.numpy as jnp
import numpy as np

NUM_SKILL = 100
EMB_DIM = 16
BATCH = 1024
SEQ = 20
K_CONCEPTS = 4


def setup_inputs(seed: int = 0) -> dict:
    key = jax.random.key(seed)
    k1, k2 = jax.random.split(key)
    # concept index tensor [B, S, K]; values in [0, num_skill]; num_skill is padding
    concepts = jax.random.randint(k1, (BATCH, SEQ, K_CONCEPTS), 0, NUM_SKILL + 1, dtype=jnp.int64)
    # learned parameter: skill embedding table (Embedding(num_skill+1, emb_dim))
    emb_table_skill = jax.random.normal(k2, (NUM_SKILL + 1, EMB_DIM), dtype=jnp.float32)
    return {"concepts": concepts, "emb_table_skill": emb_table_skill}


def reference(concepts, emb_table_skill):
    num_skill = NUM_SKILL
    # self.concepts_eye = torch.eye(num_skill + 1)
    concepts_eye = jnp.eye(num_skill + 1, dtype=jnp.float32)
    # getConcept: one-hot gather, drop padding column, sum over concept axis
    shape_concept = concepts_eye[concepts][:, :, :, :-1]      # [B, S, K, num_skill]
    concept_vector1 = jnp.sum(shape_concept, axis=-2)          # [B, S, num_skill]
    concept_vector1 = concept_vector1[..., None]               # [B, S, num_skill, 1]
    # emb_table_skill(arange(num_skill))
    sequence_tensor = jnp.arange(num_skill)
    concept_vector2 = jnp.take(emb_table_skill, sequence_tensor, axis=0)  # [num_skill, d]
    concept_vector2 = concept_vector2[None, None, :, :]        # [1, 1, num_skill, d]
    concept_true = concept_vector1 * concept_vector2           # [B, S, num_skill, d]
    return concept_true

if __name__ == "__main__":
    import jax
    _d = setup_inputs()
    print(jax.jit(kernel)(*tuple(_d.values())))

</pallas_src>

<mosaic_0001>
#map = affine_map<(d0, d1) -> (0, 0, 0)>
#map1 = affine_map<(d0, d1) -> (0)>
#map2 = affine_map<(d0, d1) -> (0, 0, 0, 0)>
module attributes {stable_mosaic.version = 14 : i64} {
  func.func @_sc_kernel(%arg0: i32, %arg1: i32, %arg2: memref<20x4x1024xi32, #tpu.memory_space<hbm>>, %arg3: memref<25856xf32, #tpu.memory_space<hbm>>, %arg4: memref<20x100x16x1024xf32, #tpu.memory_space<hbm>>, %arg5: memref<4x1024xi32, #tpu.memory_space<vmem>>, %arg6: memref<25856xf32, #tpu.memory_space<vmem>>, %arg7: memref<2x16x1024xf32, #tpu.memory_space<vmem>>, %arg8: memref<2x!tpu.dma_semaphore, #tpu.memory_space<semaphore_mem>>) attributes {dimension_semantics = [#tpu.dimension_semantics<core_parallel>, #tpu.dimension_semantics<subcore_parallel>], iteration_bounds = array<i64: 2, 16>, scalar_prefetch = 0 : i64, scratch_operands = 4 : i64, tpu.core_type = #tpu.core_type<sc_vector_subcore>, window_params = [{transform_indices = #map}, {transform_indices = #map1}, {transform_indices = #map2}]} {
    %mul3A = arith.constant 2 : i32
    %mul3A_0 = arith.muli %arg1, %mul3A : i32
    %add3A = arith.addi %mul3A_0, %arg0 : i32
    %sub3A = arith.constant 31 : i32
    %sub3A_1 = arith.subi %sub3A, %add3A : i32
    %jit3A = arith.constant 16 : i32
    %div3A = arith.divsi %sub3A_1, %jit3A : i32
    %sign3A = arith.constant 0 : i32
    %sign3A_2 = arith.cmpi sgt, %sub3A_1, %sign3A : i32
    %sign3A_3 = arith.extui %sign3A_2 : i1 to i32
    %sign3A_4 = arith.constant 0 : i32
    %sign3A_5 = arith.cmpi slt, %sub3A_1, %sign3A_4 : i32
    %sign3A_6 = arith.extui %sign3A_5 : i1 to i32
    %sign3A_7 = arith.subi %sign3A_3, %sign3A_6 : i32
    %sign3A_8 = arith.constant 0 : i32
    %sign3A_9 = arith.cmpi sgt, %jit3A, %sign3A_8 : i32
    %sign3A_10 = arith.extui %sign3A_9 : i1 to i32
    %sign3A_11 = arith.constant 0 : i32
    %sign3A_12 = arith.cmpi slt, %jit3A, %sign3A_11 : i32
    %sign3A_13 = arith.extui %sign3A_12 : i1 to i32
    %sign3A_14 = arith.subi %sign3A_10, %sign3A_13 : i32
    %ne3A = arith.cmpi ne, %sign3A_7, %sign3A_14 : i32
    %rem3A = arith.remsi %sub3A_1, %jit3A : i32
    %ne3A_15 = arith.constant 0 : i32
    %ne3A_16 = arith.cmpi ne, %rem3A, %ne3A_15 : i32
    %and3A = arith.andi %ne3A, %ne3A_16 : i1
    %sub3A_17 = arith.constant 1 : i32
    %sub3A_18 = arith.subi %div3A, %sub3A_17 : i32
    %select_n3A = arith.select %and3A, %sub3A_18, %div3A : i32
    %mul3A_19 = arith.constant 62 : i32
    %mul3A_20 = arith.muli %add3A, %mul3A_19 : i32
    %mul3A_21 = arith.muli %select_n3A, %add3A : i32
    %add3A_22 = arith.addi %mul3A_20, %mul3A_21 : i32
    %sub3A_23 = arith.constant 1 : i32
    %sub3A_24 = arith.subi %sub3A_23, %select_n3A : i32
    %mul3A_25 = arith.constant 16 : i32
    %mul3A_26 = arith.muli %sub3A_24, %mul3A_25 : i32
    %add3A_27 = arith.addi %add3A_22, %mul3A_26 : i32
    %add3A_28 = arith.constant 62 : i32
    %add3A_29 = arith.addi %add3A_27, %add3A_28 : i32
    %add3A_30 = arith.addi %add3A_29, %select_n3A : i32
    "tpu.region"() ({
      %run_scoped3A = tpu.sem_alloc : memref<!tpu.dma_semaphore, #tpu.memory_space<semaphore_mem>>
      tpu.enqueue_dma source(%arg3 : memref<25856xf32, #tpu.memory_space<hbm>>) target(%arg6 : memref<25856xf32, #tpu.memory_space<vmem>>) target_semaphore(%run_scoped3A : memref<!tpu.dma_semaphore, #tpu.memory_space<semaphore_mem>>)
      tpu.wait_dma2 semaphore(%run_scoped3A : memref<!tpu.dma_semaphore, #tpu.memory_space<semaphore_mem>>) src(%arg3 : memref<25856xf32, #tpu.memory_space<hbm>>) dst(%arg6 : memref<25856xf32, #tpu.memory_space<vmem>>)
      tpu.yield
    }) : () -> ()
    %jit3A_31 = arith.constant 100 : i32
    %div3A_32 = arith.divsi %add3A_27, %jit3A_31 : i32
    %sign3A_33 = arith.constant 0 : i32
    %sign3A_34 = arith.cmpi sgt, %add3A_27, %sign3A_33 : i32
    %sign3A_35 = arith.extui %sign3A_34 : i1 to i32
    %sign3A_36 = arith.constant 0 : i32
    %sign3A_37 = arith.cmpi slt, %add3A_27, %sign3A_36 : i32
    %sign3A_38 = arith.extui %sign3A_37 : i1 to i32
    %sign3A_39 = arith.subi %sign3A_35, %sign3A_38 : i32
    %sign3A_40 = arith.constant 0 : i32
    %sign3A_41 = arith.cmpi sgt, %jit3A_31, %sign3A_40 : i32
    %sign3A_42 = arith.extui %sign3A_41 : i1 to i32
    %sign3A_43 = arith.constant 0 : i32
    %sign3A_44 = arith.cmpi slt, %jit3A_31, %sign3A_43 : i32
    %sign3A_45 = arith.extui %sign3A_44 : i1 to i32
    %sign3A_46 = arith.subi %sign3A_42, %sign3A_45 : i32
    %ne3A_47 = arith.cmpi ne, %sign3A_39, %sign3A_46 : i32
    %rem3A_48 = arith.remsi %add3A_27, %jit3A_31 : i32
    %ne3A_49 = arith.constant 0 : i32
    %ne3A_50 = arith.cmpi ne, %rem3A_48, %ne3A_49 : i32
    %and3A_51 = arith.andi %ne3A_47, %ne3A_50 : i1
    %sub3A_52 = arith.constant 1 : i32
    %sub3A_53 = arith.subi %div3A_32, %sub3A_52 : i32
    %select_n3A_54 = arith.select %and3A_51, %sub3A_53, %div3A_32 : i32
    "tpu.region"() ({
      %run_scoped3A = tpu.sem_alloc : memref<!tpu.dma_semaphore, #tpu.memory_space<semaphore_mem>>
      %dma_start3A = arith.constant 0 : i32
      %dma_start3A_103 = arith.constant 0 : i32
      %dma_start3A_104 = tpu.memref_slice %arg2[%select_n3A_54, %dma_start3A, %dma_start3A_103] : memref<20x4x1024xi32, #tpu.memory_space<hbm>> -> memref<1x4x1024xi32, #tpu.memory_space<hbm>>
      %dma_start3A_105 = tpu.memref_squeeze %dma_start3A_104 : memref<1x4x1024xi32, #tpu.memory_space<hbm>> -> memref<4x1024xi32, #tpu.memory_space<hbm>>
      %dma_start3A_106 = arith.constant 0 : i32
      %dma_start3A_107 = arith.constant 0 : i32
      %dma_start3A_108 = tpu.memref_slice %arg2[%select_n3A_54, %dma_start3A_106, %dma_start3A_107] : memref<20x4x1024xi32, #tpu.memory_space<hbm>> -> memref<1x4x1024xi32, #tpu.memory_space<hbm>>
      %dma_start3A_109 = tpu.memref_squeeze %dma_start3A_108 : memref<1x4x1024xi32, #tpu.memory_space<hbm>> -> memref<4x1024xi32, #tpu.memory_space<hbm>>
      tpu.enqueue_dma source(%dma_start3A_109 : memref<4x1024xi32, #tpu.memory_space<hbm>>) target(%arg5 : memref<4x1024xi32, #tpu.memory_space<vmem>>) target_semaphore(%run_scoped3A : memref<!tpu.dma_semaphore, #tpu.memory_space<semaphore_mem>>)
      %dma_wait3A_110 = arith.constant 0 : i32
      %dma_wait3A_111 = arith.constant 0 : i32
      %dma_wait3A_112 = tpu.memref_slice %arg2[%select_n3A_54, %dma_wait3A_110, %dma_wait3A_111] : memref<20x4x1024xi32, #tpu.memory_space<hbm>> -> memref<1x4x1024xi32, #tpu.memory_space<hbm>>
      %dma_wait3A_113 = tpu.memref_squeeze %dma_wait3A_112 : memref<1x4x1024xi32, #tpu.memory_space<hbm>> -> memref<4x1024xi32, #tpu.memory_space<hbm>>
      %dma_wait3A_114 = arith.constant 0 : i32
      %dma_wait3A_115 = arith.constant 0 : i32
      %dma_wait3A_116 = tpu.memref_slice %arg2[%select_n3A_54, %dma_wait3A_114, %dma_wait3A_115] : memref<20x4x1024xi32, #tpu.memory_space<hbm>> -> memref<1x4x1024xi32, #tpu.memory_space<hbm>>
      %dma_wait3A_117 = tpu.memref_squeeze %dma_wait3A_116 : memref<1x4x1024xi32, #tpu.memory_space<hbm>> -> memref<4x1024xi32, #tpu.memory_space<hbm>>
      tpu.wait_dma2 semaphore(%run_scoped3A : memref<!tpu.dma_semaphore, #tpu.memory_space<semaphore_mem>>) src(%dma_wait3A_117 : memref<4x1024xi32, #tpu.memory_space<hbm>>) dst(%arg5 : memref<4x1024xi32, #tpu.memory_space<vmem>>)
      tpu.yield
    }) : () -> ()
    %scan3A = arith.constant 0 : i32
    %scan3A_55 = arith.constant 0 : i32
    %scan3A_56 = arith.constant 32 : i32
    %scan3A_57 = arith.addi %scan3A_55, %scan3A_56 : i32
    %scan3A_58 = arith.constant 1 : i32
    scf.for %scan3A_103 = %scan3A_55 to %scan3A_57 step %scan3A_58  : i32 {
      %mul3A_104 = arith.constant 2 : i32
      %mul3A_105 = arith.muli %mul3A_104, %scan3A_103 : i32
      %add3A_106 = arith.addi %add3A_27, %mul3A_105 : i32
      %lt3A = arith.cmpi slt, %add3A_106, %add3A_30 : i32
      %convert_element_type3A = arith.extui %lt3A : i1 to i32
      %cond3A = arith.constant 0 : i32
      %cond3A_107 = arith.cmpi ne, %convert_element_type3A, %cond3A : i32
      scf.if %cond3A_107 {
        %jit3A_114 = arith.constant 100 : i32
        %div3A_115 = arith.divsi %add3A_106, %jit3A_114 : i32
        %sign3A_116 = arith.constant 0 : i32
        %sign3A_117 = arith.cmpi sgt, %add3A_106, %sign3A_116 : i32
        %sign3A_118 = arith.extui %sign3A_117 : i1 to i32
        %sign3A_119 = arith.constant 0 : i32
        %sign3A_120 = arith.cmpi slt, %add3A_106, %sign3A_119 : i32
        %sign3A_121 = arith.extui %sign3A_120 : i1 to i32
        %sign3A_122 = arith.subi %sign3A_118, %sign3A_121 : i32
        %sign3A_123 = arith.constant 0 : i32
        %sign3A_124 = arith.cmpi sgt, %jit3A_114, %sign3A_123 : i32
        %sign3A_125 = arith.extui %sign3A_124 : i1 to i32
        %sign3A_126 = arith.constant 0 : i32
        %sign3A_127 = arith.cmpi slt, %jit3A_114, %sign3A_126 : i32
        %sign3A_128 = arith.extui %sign3A_127 : i1 to i32
        %sign3A_129 = arith.subi %sign3A_125, %sign3A_128 : i32
        %ne3A_130 = arith.cmpi ne, %sign3A_122, %sign3A_129 : i32
        %rem3A_131 = arith.remsi %add3A_106, %jit3A_114 : i32
        %ne3A_132 = arith.constant 0 : i32
        %ne3A_133 = arith.cmpi ne, %rem3A_131, %ne3A_132 : i32
        %and3A_134 = arith.andi %ne3A_130, %ne3A_133 : i1
        %sub3A_135 = arith.constant 1 : i32
        %sub3A_136 = arith.subi %div3A_115, %sub3A_135 : i32
        %select_n3A_137 = arith.select %and3A_134, %sub3A_136, %div3A_115 : i32
        %mul3A_138 = arith.constant 100 : i32
        %mul3A_139 = arith.muli %select_n3A_137, %mul3A_138 : i32
        %sub3A_140 = arith.subi %add3A_106, %mul3A_139 : i32
        %gt3A = arith.cmpi sgt, %add3A_106, %add3A_27 : i32
        %eq3A = arith.constant 0 : i32
        %eq3A_141 = arith.cmpi eq, %sub3A_140, %eq3A : i32
        %and3A_142 = arith.andi %gt3A, %eq3A_141 : i1
        %convert_element_type3A_143 = arith.extui %and3A_142 : i1 to i32
        %cond3A_144 = arith.constant 0 : i32
        %cond3A_145 = arith.cmpi ne, %convert_element_type3A_143, %cond3A_144 : i32
        scf.if %cond3A_145 {
          "tpu.region"() ({
            %run_scoped3A = tpu.sem_alloc : memref<!tpu.dma_semaphore, #tpu.memory_space<semaphore_mem>>
            %dma_start3A_315 = arith.constant 0 : i32
            %dma_start3A_316 = arith.constant 0 : i32
            %dma_start3A_317 = tpu.memref_slice %arg2[%select_n3A_137, %dma_start3A_315, %dma_start3A_316] : memref<20x4x1024xi32, #tpu.memory_space<hbm>> -> memref<1x4x1024xi32, #tpu.memory_space<hbm>>
            %dma_start3A_318 = tpu.memref_squeeze %dma_start3A_317 : memref<1x4x1024xi32, #tpu.memory_space<hbm>> -> memref<4x1024xi32, #tpu.memory_space<hbm>>
            %dma_start3A_319 = arith.constant 0 : i32
            %dma_start3A_320 = arith.constant 0 : i32
            %dma_start3A_321 = tpu.memref_slice %arg2[%select_n3A_137, %dma_start3A_319, %dma_start3A_320] : memref<20x4x1024xi32, #tpu.memory_space<hbm>> -> memref<1x4x1024xi32, #tpu.memory_space<hbm>>
            %dma_start3A_322 = tpu.memref_squeeze %dma_start3A_321 : memref<1x4x1024xi32, #tpu.memory_space<hbm>> -> memref<4x1024xi32, #tpu.memory_space<hbm>>
            tpu.enqueue_dma source(%dma_start3A_322 : memref<4x1024xi32, #tpu.memory_space<hbm>>) target(%arg5 : memref<4x1024xi32, #tpu.memory_space<vmem>>) target_semaphore(%run_scoped3A : memref<!tpu.dma_semaphore, #tpu.memory_space<semaphore_mem>>)
            %dma_wait3A_323 = arith.constant 0 : i32
            %dma_wait3A_324 = arith.constant 0 : i32
            %dma_wait3A_325 = tpu.memref_slice %arg2[%select_n3A_137, %dma_wait3A_323, %dma_wait3A_324] : memref<20x4x1024xi32, #tpu.memory_space<hbm>> -> memref<1x4x1024xi32, #tpu.memory_space<hbm>>
            %dma_wait3A_326 = tpu.memref_squeeze %dma_wait3A_325 : memref<1x4x1024xi32, #tpu.memory_space<hbm>> -> memref<4x1024xi32, #tpu.memory_space<hbm>>
            %dma_wait3A_327 = arith.constant 0 : i32
            %dma_wait3A_328 = arith.constant 0 : i32
            %dma_wait3A_329 = tpu.memref_slice %arg2[%select_n3A_137, %dma_wait3A_327, %dma_wait3A_328] : memref<20x4x1024xi32, #tpu.memory_space<hbm>> -> memref<1x4x1024xi32, #tpu.memory_space<hbm>>
            %dma_wait3A_330 = tpu.memref_squeeze %dma_wait3A_329 : memref<1x4x1024xi32, #tpu.memory_space<hbm>> -> memref<4x1024xi32, #tpu.memory_space<hbm>>
            tpu.wait_dma2 semaphore(%run_scoped3A : memref<!tpu.dma_semaphore, #tpu.memory_space<semaphore_mem>>) src(%dma_wait3A_330 : memref<4x1024xi32, #tpu.memory_space<hbm>>) dst(%arg5 : memref<4x1024xi32, #tpu.memory_space<vmem>>)
            tpu.yield
          }) : () -> ()
        } else {
        }
        %add3A_146 = arith.constant 2 : i32
        %add3A_147 = arith.addi %add3A_27, %add3A_146 : i32
        %ge3A = arith.cmpi sge, %add3A_106, %add3A_147 : i32
        %convert_element_type3A_148 = arith.extui %ge3A : i1 to i32
        %cond3A_149 = arith.constant 0 : i32
        %cond3A_150 = arith.cmpi ne, %convert_element_type3A_148, %cond3A_149 : i32
        scf.if %cond3A_150 {
          %dma_wait3A_315 = arith.constant 0 : i32
          %dma_wait3A_316 = arith.constant 0 : i32
          %dma_wait3A_317 = arith.constant 0 : i32
          %dma_wait3A_318 = arith.constant 0 : i32
          %dma_wait3A_319 = tpu.memref_slice %arg7[%dma_wait3A_315, %dma_wait3A_317, %dma_wait3A_318] : memref<2x16x1024xf32, #tpu.memory_space<vmem>> -> memref<1x16x1024xf32, #tpu.memory_space<vmem>>
          %dma_wait3A_320 = tpu.memref_squeeze %dma_wait3A_319 : memref<1x16x1024xf32, #tpu.memory_space<vmem>> -> memref<16x1024xf32, #tpu.memory_space<vmem>>
          %dma_wait3A_321 = arith.constant 0 : i32
          %dma_wait3A_322 = arith.constant 0 : i32
          %dma_wait3A_323 = tpu.memref_slice %arg4[%select_n3A_137, %sub3A_140, %dma_wait3A_321, %dma_wait3A_322] : memref<20x100x16x1024xf32, #tpu.memory_space<hbm>> -> memref<1x1x16x1024xf32, #tpu.memory_space<hbm>>
          %dma_wait3A_324 = tpu.memref_squeeze %dma_wait3A_323 : memref<1x1x16x1024xf32, #tpu.memory_space<hbm>> -> memref<16x1024xf32, #tpu.memory_space<hbm>>
          %dma_wait3A_325 = tpu.memref_slice %arg8[%dma_wait3A_316] : memref<2x!tpu.dma_semaphore, #tpu.memory_space<semaphore_mem>> -> memref<1x!tpu.dma_semaphore, #tpu.memory_space<semaphore_mem>>
          %dma_wait3A_326 = tpu.memref_squeeze %dma_wait3A_325 : memref<1x!tpu.dma_semaphore, #tpu.memory_space<semaphore_mem>> -> memref<!tpu.dma_semaphore, #tpu.memory_space<semaphore_mem>>
          %dma_wait3A_327 = arith.constant 0 : i32
          %dma_wait3A_328 = arith.constant 0 : i32
          %dma_wait3A_329 = tpu.memref_slice %arg4[%select_n3A_137, %sub3A_140, %dma_wait3A_327, %dma_wait3A_328] : memref<20x100x16x1024xf32, #tpu.memory_space<hbm>> -> memref<1x1x16x1024xf32, #tpu.memory_space<hbm>>
          %dma_wait3A_330 = tpu.memref_squeeze %dma_wait3A_329 : memref<1x1x16x1024xf32, #tpu.memory_space<hbm>> -> memref<16x1024xf32, #tpu.memory_space<hbm>>
          %dma_wait3A_331 = arith.constant 0 : i32
          %dma_wait3A_332 = arith.constant 0 : i32
          %dma_wait3A_333 = tpu.memref_slice %arg7[%dma_wait3A_315, %dma_wait3A_331, %dma_wait3A_332] : memref<2x16x1024xf32, #tpu.memory_space<vmem>> -> memref<1x16x1024xf32, #tpu.memory_space<vmem>>
          %dma_wait3A_334 = tpu.memref_squeeze %dma_wait3A_333 : memref<1x16x1024xf32, #tpu.memory_space<vmem>> -> memref<16x1024xf32, #tpu.memory_space<vmem>>
          tpu.wait_dma2 semaphore(%dma_wait3A_326 : memref<!tpu.dma_semaphore, #tpu.memory_space<semaphore_mem>>) src(%dma_wait3A_334 : memref<16x1024xf32, #tpu.memory_space<vmem>>) dst(%dma_wait3A_330 : memref<16x1024xf32, #tpu.memory_space<hbm>>)
        } else {
        }
        %mul3A_151 = arith.constant 16 : i32
        %mul3A_152 = arith.muli %sub3A_140, %mul3A_151 : i32
        %add3A_153 = arith.constant 0 : i32
        %add3A_154 = arith.addi %mul3A_152, %add3A_153 : i32
        %mul3A_155 = arith.constant 16 : i32
        %mul3A_156 = arith.muli %add3A_154, %mul3A_155 : i32
        %get3A = arith.index_cast %mul3A_156 : i32 to index
        %get3A_157 = tpu.vector_load %arg6[%get3A] {strides = array<i32>} : memref<25856xf32, #tpu.memory_space<vmem>>, vector<16xf32>,
        %get3A_158 = vector.shape_cast %get3A_157 : vector<16xf32> to vector<16xf32>
        %mul3A_159 = arith.constant 16 : i32
        %mul3A_160 = arith.muli %sub3A_140, %mul3A_159 : i32
        %add3A_161 = arith.constant 1 : i32
        %add3A_162 = arith.addi %mul3A_160, %add3A_161 : i32
        %mul3A_163 = arith.constant 16 : i32
        %mul3A_164 = arith.muli %add3A_162, %mul3A_163 : i32
        %get3A_165 = arith.index_cast %mul3A_164 : i32 to index
        %get3A_166 = tpu.vector_load %arg6[%get3A_165] {strides = array<i32>} : memref<25856xf32, #tpu.memory_space<vmem>>, vector<16xf32>,
        %get3A_167 = vector.shape_cast %get3A_166 : vector<16xf32> to vector<16xf32>
        %mul3A_168 = arith.constant 16 : i32
        %mul3A_169 = arith.muli %sub3A_140, %mul3A_168 : i32
        %add3A_170 = arith.constant 2 : i32
        %add3A_171 = arith.addi %mul3A_169, %add3A_170 : i32
        %mul3A_172 = arith.constant 16 : i32
        %mul3A_173 = arith.muli %add3A_171, %mul3A_172 : i32
        %get3A_174 = arith.index_cast %mul3A_173 : i32 to index
        %get3A_175 = tpu.vector_load %arg6[%get3A_174] {strides = array<i32>} : memref<25856xf32, #tpu.memory_space<vmem>>, vector<16xf32>,
        %get3A_176 = vector.shape_cast %get3A_175 : vector<16xf32> to vector<16xf32>
        %mul3A_177 = arith.constant 16 : i32
        %mul3A_178 = arith.muli %sub3A_140, %mul3A_177 : i32
        %add3A_179 = arith.constant 3 : i32
        %add3A_180 = arith.addi %mul3A_178, %add3A_179 : i32
        %mul3A_181 = arith.constant 16 : i32
        %mul3A_182 = arith.muli %add3A_180, %mul3A_181 : i32
        %get3A_183 = arith.index_cast %mul3A_182 : i32 to index
        %get3A_184 = tpu.vector_load %arg6[%get3A_183] {strides = array<i32>} : memref<25856xf32, #tpu.memory_space<vmem>>, vector<16xf32>,
        %get3A_185 = vector.shape_cast %get3A_184 : vector<16xf32> to vector<16xf32>
        %mul3A_186 = arith.constant 16 : i32
        %mul3A_187 = arith.muli %sub3A_140, %mul3A_186 : i32
        %add3A_188 = arith.constant 4 : i32
        %add3A_189 = arith.addi %mul3A_187, %add3A_188 : i32
        %mul3A_190 = arith.constant 16 : i32
        %mul3A_191 = arith.muli %add3A_189, %mul3A_190 : i32
        %get3A_192 = arith.index_cast %mul3A_191 : i32 to index
        %get3A_193 = tpu.vector_load %arg6[%get3A_192] {strides = array<i32>} : memref<25856xf32, #tpu.memory_space<vmem>>, vector<16xf32>,
        %get3A_194 = vector.shape_cast %get3A_193 : vector<16xf32> to vector<16xf32>
        %mul3A_195 = arith.constant 16 : i32
        %mul3A_196 = arith.muli %sub3A_140, %mul3A_195 : i32
        %add3A_197 = arith.constant 5 : i32
        %add3A_198 = arith.addi %mul3A_196, %add3A_197 : i32
        %mul3A_199 = arith.constant 16 : i32
        %mul3A_200 = arith.muli %add3A_198, %mul3A_199 : i32
        %get3A_201 = arith.index_cast %mul3A_200 : i32 to index
        %get3A_202 = tpu.vector_load %arg6[%get3A_201] {strides = array<i32>} : memref<25856xf32, #tpu.memory_space<vmem>>, vector<16xf32>,
        %get3A_203 = vector.shape_cast %get3A_202 : vector<16xf32> to vector<16xf32>
        %mul3A_204 = arith.constant 16 : i32
        %mul3A_205 = arith.muli %sub3A_140, %mul3A_204 : i32
        %add3A_206 = arith.constant 6 : i32
        %add3A_207 = arith.addi %mul3A_205, %add3A_206 : i32
        %mul3A_208 = arith.constant 16 : i32
        %mul3A_209 = arith.muli %add3A_207, %mul3A_208 : i32
        %get3A_210 = arith.index_cast %mul3A_209 : i32 to index
        %get3A_211 = tpu.vector_load %arg6[%get3A_210] {strides = array<i32>} : memref<25856xf32, #tpu.memory_space<vmem>>, vector<16xf32>,
        %get3A_212 = vector.shape_cast %get3A_211 : vector<16xf32> to vector<16xf32>
        %mul3A_213 = arith.constant 16 : i32
        %mul3A_214 = arith.muli %sub3A_140, %mul3A_213 : i32
        %add3A_215 = arith.constant 7 : i32
        %add3A_216 = arith.addi %mul3A_214, %add3A_215 : i32
        %mul3A_217 = arith.constant 16 : i32
        %mul3A_218 = arith.muli %add3A_216, %mul3A_217 : i32
        %get3A_219 = arith.index_cast %mul3A_218 : i32 to index
        %get3A_220 = tpu.vector_load %arg6[%get3A_219] {strides = array<i32>} : memref<25856xf32, #tpu.memory_space<vmem>>, vector<16xf32>,
        %get3A_221 = vector.shape_cast %get3A_220 : vector<16xf32> to vector<16xf32>
        %mul3A_222 = arith.constant 16 : i32
        %mul3A_223 = arith.muli %sub3A_140, %mul3A_222 : i32
        %add3A_224 = arith.constant 8 : i32
        %add3A_225 = arith.addi %mul3A_223, %add3A_224 : i32
        %mul3A_226 = arith.constant 16 : i32
        %mul3A_227 = arith.muli %add3A_225, %mul3A_226 : i32
        %get3A_228 = arith.index_cast %mul3A_227 : i32 to index
        %get3A_229 = tpu.vector_load %arg6[%get3A_228] {strides = array<i32>} : memref<25856xf32, #tpu.memory_space<vmem>>, vector<16xf32>,
        %get3A_230 = vector.shape_cast %get3A_229 : vector<16xf32> to vector<16xf32>
        %mul3A_231 = arith.constant 16 : i32
        %mul3A_232 = arith.muli %sub3A_140, %mul3A_231 : i32
        %add3A_233 = arith.constant 9 : i32
        %add3A_234 = arith.addi %mul3A_232, %add3A_233 : i32
        %mul3A_235 = arith.constant 16 : i32
        %mul3A_236 = arith.muli %add3A_234, %mul3A_235 : i32
        %get3A_237 = arith.index_cast %mul3A_236 : i32 to index
        %get3A_238 = tpu.vector_load %arg6[%get3A_237] {strides = array<i32>} : memref<25856xf32, #tpu.memory_space<vmem>>, vector<16xf32>,
        %get3A_239 = vector.shape_cast %get3A_238 : vector<16xf32> to vector<16xf32>
        %mul3A_240 = arith.constant 16 : i32
        %mul3A_241 = arith.muli %sub3A_140, %mul3A_240 : i32
        %add3A_242 = arith.constant 10 : i32
        %add3A_243 = arith.addi %mul3A_241, %add3A_242 : i32
        %mul3A_244 = arith.constant 16 : i32
        %mul3A_245 = arith.muli %add3A_243, %mul3A_244 : i32
        %get3A_246 = arith.index_cast %mul3A_245 : i32 to index
        %get3A_247 = tpu.vector_load %arg6[%get3A_246] {strides = array<i32>} : memref<25856xf32, #tpu.memory_space<vmem>>, vector<16xf32>,
        %get3A_248 = vector.shape_cast %get3A_247 : vector<16xf32> to vector<16xf32>
        %mul3A_249 = arith.constant 16 : i32
        %mul3A_250 = arith.muli %sub3A_140, %mul3A_249 : i32
        %add3A_251 = arith.constant 11 : i32
        %add3A_252 = arith.addi %mul3A_250, %add3A_251 : i32
        %mul3A_253 = arith.constant 16 : i32
        %mul3A_254 = arith.muli %add3A_252, %mul3A_253 : i32
        %get3A_255 = arith.index_cast %mul3A_254 : i32 to index
        %get3A_256 = tpu.vector_load %arg6[%get3A_255] {strides = array<i32>} : memref<25856xf32, #tpu.memory_space<vmem>>, vector<16xf32>,
        %get3A_257 = vector.shape_cast %get3A_256 : vector<16xf32> to vector<16xf32>
        %mul3A_258 = arith.constant 16 : i32
        %mul3A_259 = arith.muli %sub3A_140, %mul3A_258 : i32
        %add3A_260 = arith.constant 12 : i32
        %add3A_261 = arith.addi %mul3A_259, %add3A_260 : i32
        %mul3A_262 = arith.constant 16 : i32
        %mul3A_263 = arith.muli %add3A_261, %mul3A_262 : i32
        %get3A_264 = arith.index_cast %mul3A_263 : i32 to index
        %get3A_265 = tpu.vector_load %arg6[%get3A_264] {strides = array<i32>} : memref<25856xf32, #tpu.memory_space<vmem>>, vector<16xf32>,
        %get3A_266 = vector.shape_cast %get3A_265 : vector<16xf32> to vector<16xf32>
        %mul3A_267 = arith.constant 16 : i32
        %mul3A_268 = arith.muli %sub3A_140, %mul3A_267 : i32
        %add3A_269 = arith.constant 13 : i32
        %add3A_270 = arith.addi %mul3A_268, %add3A_269 : i32
        %mul3A_271 = arith.constant 16 : i32
        %mul3A_272 = arith.muli %add3A_270, %mul3A_271 : i32
        %get3A_273 = arith.index_cast %mul3A_272 : i32 to index
        %get3A_274 = tpu.vector_load %arg6[%get3A_273] {strides = array<i32>} : memref<25856xf32, #tpu.memory_space<vmem>>, vector<16xf32>,
        %get3A_275 = vector.shape_cast %get3A_274 : vector<16xf32> to vector<16xf32>
        %mul3A_276 = arith.constant 16 : i32
        %mul3A_277 = arith.muli %sub3A_140, %mul3A_276 : i32
        %add3A_278 = arith.constant 14 : i32
        %add3A_279 = arith.addi %mul3A_277, %add3A_278 : i32
        %mul3A_280 = arith.constant 16 : i32
        %mul3A_281 = arith.muli %add3A_279, %mul3A_280 : i32
        %get3A_282 = arith.index_cast %mul3A_281 : i32 to index
        %get3A_283 = tpu.vector_load %arg6[%get3A_282] {strides = array<i32>} : memref<25856xf32, #tpu.memory_space<vmem>>, vector<16xf32>,
        %get3A_284 = vector.shape_cast %get3A_283 : vector<16xf32> to vector<16xf32>
        %mul3A_285 = arith.constant 16 : i32
        %mul3A_286 = arith.muli %sub3A_140, %mul3A_285 : i32
        %add3A_287 = arith.constant 15 : i32
        %add3A_288 = arith.addi %mul3A_286, %add3A_287 : i32
        %mul3A_289 = arith.constant 16 : i32
        %mul3A_290 = arith.muli %add3A_288, %mul3A_289 : i32
        %get3A_291 = arith.index_cast %mul3A_290 : i32 to index
        %get3A_292 = tpu.vector_load %arg6[%get3A_291] {strides = array<i32>} : memref<25856xf32, #tpu.memory_space<vmem>>, vector<16xf32>,
        %get3A_293 = vector.shape_cast %get3A_292 : vector<16xf32> to vector<16xf32>
        %parallel_loop3A = arith.constant 0 : i32
        %parallel_loop3A_294 = arith.constant 64 : i32
        %parallel_loop3A_295 = arith.constant 1 : i32
        scf.for %parallel_loop3A_315 = %parallel_loop3A to %parallel_loop3A_294 step %parallel_loop3A_295  : i32 {
          %parallel_loop3A_316 = arith.constant 16 : i32
          %parallel_loop3A_317 = arith.muli %parallel_loop3A_315, %parallel_loop3A_316 : i32
          %parallel_loop3A_318 = arith.constant 0 : i32
          %parallel_loop3A_319 = arith.index_cast %parallel_loop3A_318 : i32 to index
          %parallel_loop3A_320 = arith.index_cast %parallel_loop3A_317 : i32 to index
          %parallel_loop3A_321 = tpu.vector_load %arg5[%parallel_loop3A_319, %parallel_loop3A_320] {strides = array<i32>} : memref<4x1024xi32, #tpu.memory_space<vmem>>, vector<1x16xi32>,
          %parallel_loop3A_322 = vector.shape_cast %parallel_loop3A_321 : vector<1x16xi32> to vector<16xi32>
          %parallel_loop3A_323 = arith.constant 1 : i32
          %parallel_loop3A_324 = arith.index_cast %parallel_loop3A_323 : i32 to index
          %parallel_loop3A_325 = arith.index_cast %parallel_loop3A_317 : i32 to index
          %parallel_loop3A_326 = tpu.vector_load %arg5[%parallel_loop3A_324, %parallel_loop3A_325] {strides = array<i32>} : memref<4x1024xi32, #tpu.memory_space<vmem>>, vector<1x16xi32>,
          %parallel_loop3A_327 = vector.shape_cast %parallel_loop3A_326 : vector<1x16xi32> to vector<16xi32>
          %parallel_loop3A_328 = arith.constant 2 : i32
          %parallel_loop3A_329 = arith.index_cast %parallel_loop3A_328 : i32 to index
          %parallel_loop3A_330 = arith.index_cast %parallel_loop3A_317 : i32 to index
          %parallel_loop3A_331 = tpu.vector_load %arg5[%parallel_loop3A_329, %parallel_loop3A_330] {strides = array<i32>} : memref<4x1024xi32, #tpu.memory_space<vmem>>, vector<1x16xi32>,
          %parallel_loop3A_332 = vector.shape_cast %parallel_loop3A_331 : vector<1x16xi32> to vector<16xi32>
          %parallel_loop3A_333 = arith.constant 3 : i32
          %parallel_loop3A_334 = arith.index_cast %parallel_loop3A_333 : i32 to index
          %parallel_loop3A_335 = arith.index_cast %parallel_loop3A_317 : i32 to index
          %parallel_loop3A_336 = tpu.vector_load %arg5[%parallel_loop3A_334, %parallel_loop3A_335] {strides = array<i32>} : memref<4x1024xi32, #tpu.memory_space<vmem>>, vector<1x16xi32>,
          %parallel_loop3A_337 = vector.shape_cast %parallel_loop3A_336 : vector<1x16xi32> to vector<16xi32>
          %parallel_loop3A_338 = vector.broadcast %sub3A_140 : i32 to vector<16xi32>
          %parallel_loop3A_339 = arith.subi %parallel_loop3A_322, %parallel_loop3A_338 : vector<16xi32>
          %parallel_loop3A_340 = math.absi %parallel_loop3A_339 : vector<16xi32>
          %parallel_loop3A_341 = arith.constant 1 : i32
          %parallel_loop3A_342 = vector.broadcast %parallel_loop3A_341 : i32 to vector<16xi32>
          %parallel_loop3A_343 = arith.minsi %parallel_loop3A_340, %parallel_loop3A_342 : vector<16xi32>
          %parallel_loop3A_344 = vector.broadcast %sub3A_140 : i32 to vector<16xi32>
          %parallel_loop3A_345 = arith.subi %parallel_loop3A_327, %parallel_loop3A_344 : vector<16xi32>
          %parallel_loop3A_346 = math.absi %parallel_loop3A_345 : vector<16xi32>
          %parallel_loop3A_347 = arith.constant 1 : i32
          %parallel_loop3A_348 = vector.broadcast %parallel_loop3A_347 : i32 to vector<16xi32>
          %parallel_loop3A_349 = arith.minsi %parallel_loop3A_346, %parallel_loop3A_348 : vector<16xi32>
          %parallel_loop3A_350 = arith.addi %parallel_loop3A_343, %parallel_loop3A_349 : vector<16xi32>
          %parallel_loop3A_351 = vector.broadcast %sub3A_140 : i32 to vector<16xi32>
          %parallel_loop3A_352 = arith.subi %parallel_loop3A_332, %parallel_loop3A_351 : vector<16xi32>
          %parallel_loop3A_353 = math.absi %parallel_loop3A_352 : vector<16xi32>
          %parallel_loop3A_354 = arith.constant 1 : i32
          %parallel_loop3A_355 = vector.broadcast %parallel_loop3A_354 : i32 to vector<16xi32>
          %parallel_loop3A_356 = arith.minsi %parallel_loop3A_353, %parallel_loop3A_355 : vector<16xi32>
          %parallel_loop3A_357 = arith.addi %parallel_loop3A_350, %parallel_loop3A_356 : vector<16xi32>
          %parallel_loop3A_358 = vector.broadcast %sub3A_140 : i32 to vector<16xi32>
          %parallel_loop3A_359 = arith.subi %parallel_loop3A_337, %parallel_loop3A_358 : vector<16xi32>
          %parallel_loop3A_360 = math.absi %parallel_loop3A_359 : vector<16xi32>
          %parallel_loop3A_361 = arith.constant 1 : i32
          %parallel_loop3A_362 = vector.broadcast %parallel_loop3A_361 : i32 to vector<16xi32>
          %parallel_loop3A_363 = arith.minsi %parallel_loop3A_360, %parallel_loop3A_362 : vector<16xi32>
          %parallel_loop3A_364 = arith.addi %parallel_loop3A_357, %parallel_loop3A_363 : vector<16xi32>
          %parallel_loop3A_365 = arith.constant 4 : i32
          %parallel_loop3A_366 = vector.broadcast %parallel_loop3A_365 : i32 to vector<16xi32>
          %parallel_loop3A_367 = arith.subi %parallel_loop3A_366, %parallel_loop3A_364 : vector<16xi32>
          %parallel_loop3A_368 = arith.sitofp %parallel_loop3A_367 : vector<16xi32> to vector<16xf32>
          %parallel_loop3A_369 = arith.mulf %parallel_loop3A_368, %get3A_158 : vector<16xf32>
          %parallel_loop3A_370 = arith.constant 0 : i32
          %parallel_loop3A_371 = arith.constant 0 : i32
          %parallel_loop3A_372 = arith.index_cast %parallel_loop3A_370 : i32 to index
          %parallel_loop3A_373 = arith.index_cast %parallel_loop3A_371 : i32 to index
          %parallel_loop3A_374 = arith.index_cast %parallel_loop3A_317 : i32 to index
          %parallel_loop3A_375 = tpu.vector_load %arg7[%parallel_loop3A_372, %parallel_loop3A_373, %parallel_loop3A_374] {strides = array<i32>} : memref<2x16x1024xf32, #tpu.memory_space<vmem>>, vector<1x1x16xf32>,
          %parallel_loop3A_376 = vector.shape_cast %parallel_loop3A_375 : vector<1x1x16xf32> to vector<16xf32>
          %parallel_loop3A_377 = vector.shape_cast %parallel_loop3A_369 : vector<16xf32> to vector<1x1x16xf32>
          tpu.vector_store %arg7[%parallel_loop3A_372, %parallel_loop3A_373, %parallel_loop3A_374], %parallel_loop3A_377 {strides = array<i32>} : memref<2x16x1024xf32, #tpu.memory_space<vmem>>, vector<1x1x16xf32>,
          %parallel_loop3A_378 = arith.mulf %parallel_loop3A_368, %get3A_167 : vector<16xf32>
          %parallel_loop3A_379 = arith.constant 0 : i32
          %parallel_loop3A_380 = arith.constant 1 : i32
          %parallel_loop3A_381 = arith.index_cast %parallel_loop3A_379 : i32 to index
          %parallel_loop3A_382 = arith.index_cast %parallel_loop3A_380 : i32 to index
          %parallel_loop3A_383 = arith.index_cast %parallel_loop3A_317 : i32 to index
          %parallel_loop3A_384 = tpu.vector_load %arg7[%parallel_loop3A_381, %parallel_loop3A_382, %parallel_loop3A_383] {strides = array<i32>} : memref<2x16x1024xf32, #tpu.memory_space<vmem>>, vector<1x1x16xf32>,
          %parallel_loop3A_385 = vector.shape_cast %parallel_loop3A_384 : vector<1x1x16xf32> to vector<16xf32>
          %parallel_loop3A_386 = vector.shape_cast %parallel_loop3A_378 : vector<16xf32> to vector<1x1x16xf32>
          tpu.vector_store %arg7[%parallel_loop3A_381, %parallel_loop3A_382, %parallel_loop3A_383], %parallel_loop3A_386 {strides = array<i32>} : memref<2x16x1024xf32, #tpu.memory_space<vmem>>, vector<1x1x16xf32>,
          %parallel_loop3A_387 = arith.mulf %parallel_loop3A_368, %get3A_176 : vector<16xf32>
          %parallel_loop3A_388 = arith.constant 0 : i32
          %parallel_loop3A_389 = arith.constant 2 : i32
          %parallel_loop3A_390 = arith.index_cast %parallel_loop3A_388 : i32 to index
          %parallel_loop3A_391 = arith.index_cast %parallel_loop3A_389 : i32 to index
          %parallel_loop3A_392 = arith.index_cast %parallel_loop3A_317 : i32 to index
          %parallel_loop3A_393 = tpu.vector_load %arg7[%parallel_loop3A_390, %parallel_loop3A_391, %parallel_loop3A_392] {strides = array<i32>} : memref<2x16x1024xf32, #tpu.memory_space<vmem>>, vector<1x1x16xf32>,
          %parallel_loop3A_394 = vector.shape_cast %parallel_loop3A_393 : vector<1x1x16xf32> to vector<16xf32>
          %parallel_loop3A_395 = vector.shape_cast %parallel_loop3A_387 : vector<16xf32> to vector<1x1x16xf32>
          tpu.vector_store %arg7[%parallel_loop3A_390, %parallel_loop3A_391, %parallel_loop3A_392], %parallel_loop3A_395 {strides = array<i32>} : memref<2x16x1024xf32, #tpu.memory_space<vmem>>, vector<1x1x16xf32>,
          %parallel_loop3A_396 = arith.mulf %parallel_loop3A_368, %get3A_185 : vector<16xf32>
          %parallel_loop3A_397 = arith.constant 0 : i32
          %parallel_loop3A_398 = arith.constant 3 : i32
          %parallel_loop3A_399 = arith.index_cast %parallel_loop3A_397 : i32 to index
          %parallel_loop3A_400 = arith.index_cast %parallel_loop3A_398 : i32 to index
          %parallel_loop3A_401 = arith.index_cast %parallel_loop3A_317 : i32 to index
          %parallel_loop3A_402 = tpu.vector_load %arg7[%parallel_loop3A_399, %parallel_loop3A_400, %parallel_loop3A_401] {strides = array<i32>} : memref<2x16x1024xf32, #tpu.memory_space<vmem>>, vector<1x1x16xf32>,
          %parallel_loop3A_403 = vector.shape_cast %parallel_loop3A_402 : vector<1x1x16xf32> to vector<16xf32>
          %parallel_loop3A_404 = vector.shape_cast %parallel_loop3A_396 : vector<16xf32> to vector<1x1x16xf32>
          tpu.vector_store %arg7[%parallel_loop3A_399, %parallel_loop3A_400, %parallel_loop3A_401], %parallel_loop3A_404 {strides = array<i32>} : memref<2x16x1024xf32, #tpu.memory_space<vmem>>, vector<1x1x16xf32>,
          %parallel_loop3A_405 = arith.mulf %parallel_loop3A_368, %get3A_194 : vector<16xf32>
          %parallel_loop3A_406 = arith.constant 0 : i32
          %parallel_loop3A_407 = arith.constant 4 : i32
          %parallel_loop3A_408 = arith.index_cast %parallel_loop3A_406 : i32 to index
          %parallel_loop3A_409 = arith.index_cast %parallel_loop3A_407 : i32 to index
          %parallel_loop3A_410 = arith.index_cast %parallel_loop3A_317 : i32 to index
          %parallel_loop3A_411 = tpu.vector_load %arg7[%parallel_loop3A_408, %parallel_loop3A_409, %parallel_loop3A_410] {strides = array<i32>} : memref<2x16x1024xf32, #tpu.memory_space<vmem>>, vector<1x1x16xf32>,
          %parallel_loop3A_412 = vector.shape_cast %parallel_loop3A_411 : vector<1x1x16xf32> to vector<16xf32>
          %parallel_loop3A_413 = vector.shape_cast %parallel_loop3A_405 : vector<16xf32> to vector<1x1x16xf32>
          tpu.vector_store %arg7[%parallel_loop3A_408, %parallel_loop3A_409, %parallel_loop3A_410], %parallel_loop3A_413 {strides = array<i32>} : memref<2x16x1024xf32, #tpu.memory_space<vmem>>, vector<1x1x16xf32>,
          %parallel_loop3A_414 = arith.mulf %parallel_loop3A_368, %get3A_203 : vector<16xf32>
          %parallel_loop3A_415 = arith.constant 0 : i32
          %parallel_loop3A_416 = arith.constant 5 : i32
          %parallel_loop3A_417 = arith.index_cast %parallel_loop3A_415 : i32 to index
          %parallel_loop3A_418 = arith.index_cast %parallel_loop3A_416 : i32 to index
          %parallel_loop3A_419 = arith.index_cast %parallel_loop3A_317 : i32 to index
          %parallel_loop3A_420 = tpu.vector_load %arg7[%parallel_loop3A_417, %parallel_loop3A_418, %parallel_loop3A_419] {strides = array<i32>} : memref<2x16x1024xf32, #tpu.memory_space<vmem>>, vector<1x1x16xf32>,
          %parallel_loop3A_421 = vector.shape_cast %parallel_loop3A_420 : vector<1x1x16xf32> to vector<16xf32>
          %parallel_loop3A_422 = vector.shape_cast %parallel_loop3A_414 : vector<16xf32> to vector<1x1x16xf32>
          tpu.vector_store %arg7[%parallel_loop3A_417, %parallel_loop3A_418, %parallel_loop3A_419], %parallel_loop3A_422 {strides = array<i32>} : memref<2x16x1024xf32, #tpu.memory_space<vmem>>, vector<1x1x16xf32>,
          %parallel_loop3A_423 = arith.mulf %parallel_loop3A_368, %get3A_212 : vector<16xf32>
          %parallel_loop3A_424 = arith.constant 0 : i32
          %parallel_loop3A_425 = arith.constant 6 : i32
          %parallel_loop3A_426 = arith.index_cast %parallel_loop3A_424 : i32 to index
          %parallel_loop3A_427 = arith.index_cast %parallel_loop3A_425 : i32 to index
          %parallel_loop3A_428 = arith.index_cast %parallel_loop3A_317 : i32 to index
          %parallel_loop3A_429 = tpu.vector_load %arg7[%parallel_loop3A_426, %parallel_loop3A_427, %parallel_loop3A_428] {strides = array<i32>} : memref<2x16x1024xf32, #tpu.memory_space<vmem>>, vector<1x1x16xf32>,
          %parallel_loop3A_430 = vector.shape_cast %parallel_loop3A_429 : vector<1x1x16xf32> to vector<16xf32>
          %parallel_loop3A_431 = vector.shape_cast %parallel_loop3A_423 : vector<16xf32> to vector<1x1x16xf32>
          tpu.vector_store %arg7[%parallel_loop3A_426, %parallel_loop3A_427, %parallel_loop3A_428], %parallel_loop3A_431 {strides = array<i32>} : memref<2x16x1024xf32, #tpu.memory_space<vmem>>, vector<1x1x16xf32>,
          %parallel_loop3A_432 = arith.mulf %parallel_loop3A_368, %get3A_221 : vector<16xf32>
          %parallel_loop3A_433 = arith.constant 0 : i32
          %parallel_loop3A_434 = arith.constant 7 : i32
          %parallel_loop3A_435 = arith.index_cast %parallel_loop3A_433 : i32 to index
          %parallel_loop3A_436 = arith.index_cast %parallel_loop3A_434 : i32 to index
          %parallel_loop3A_437 = arith.index_cast %parallel_loop3A_317 : i32 to index
          %parallel_loop3A_438 = tpu.vector_load %arg7[%parallel_loop3A_435, %parallel_loop3A_436, %parallel_loop3A_437] {strides = array<i32>} : memref<2x16x1024xf32, #tpu.memory_space<vmem>>, vector<1x1x16xf32>,
          %parallel_loop3A_439 = vector.shape_cast %parallel_loop3A_438 : vector<1x1x16xf32> to vector<16xf32>
          %parallel_loop3A_440 = vector.shape_cast %parallel_loop3A_432 : vector<16xf32> to vector<1x1x16xf32>
          tpu.vector_store %arg7[%parallel_loop3A_435, %parallel_loop3A_436, %parallel_loop3A_437], %parallel_loop3A_440 {strides = array<i32>} : memref<2x16x1024xf32, #tpu.memory_space<vmem>>, vector<1x1x16xf32>,
          %parallel_loop3A_441 = arith.mulf %parallel_loop3A_368, %get3A_230 : vector<16xf32>
          %parallel_loop3A_442 = arith.constant 0 : i32
          %parallel_loop3A_443 = arith.constant 8 : i32
          %parallel_loop3A_444 = arith.index_cast %parallel_loop3A_442 : i32 to index
          %parallel_loop3A_445 = arith.index_cast %parallel_loop3A_443 : i32 to index
          %parallel_loop3A_446 = arith.index_cast %parallel_loop3A_317 : i32 to index
          %parallel_loop3A_447 = tpu.vector_load %arg7[%parallel_loop3A_444, %parallel_loop3A_445, %parallel_loop3A_446] {strides = array<i32>} : memref<2x16x1024xf32, #tpu.memory_space<vmem>>, vector<1x1x16xf32>,
          %parallel_loop3A_448 = vector.shape_cast %parallel_loop3A_447 : vector<1x1x16xf32> to vector<16xf32>
          %parallel_loop3A_449 = vector.shape_cast %parallel_loop3A_441 : vector<16xf32> to vector<1x1x16xf32>
          tpu.vector_store %arg7[%parallel_loop3A_444, %parallel_loop3A_445, %parallel_loop3A_446], %parallel_loop3A_449 {strides = array<i32>} : memref<2x16x1024xf32, #tpu.memory_space<vmem>>, vector<1x1x16xf32>,
          %parallel_loop3A_450 = arith.mulf %parallel_loop3A_368, %get3A_239 : vector<16xf32>
          %parallel_loop3A_451 = arith.constant 0 : i32
          %parallel_loop3A_452 = arith.constant 9 : i32
          %parallel_loop3A_453 = arith.index_cast %parallel_loop3A_451 : i32 to index
          %parallel_loop3A_454 = arith.index_cast %parallel_loop3A_452 : i32 to index
          %parallel_loop3A_455 = arith.index_cast %parallel_loop3A_317 : i32 to index
          %parallel_loop3A_456 = tpu.vector_load %arg7[%parallel_loop3A_453, %parallel_loop3A_454, %parallel_loop3A_455] {strides = array<i32>} : memref<2x16x1024xf32, #tpu.memory_space<vmem>>, vector<1x1x16xf32>,
          %parallel_loop3A_457 = vector.shape_cast %parallel_loop3A_456 : vector<1x1x16xf32> to vector<16xf32>
          %parallel_loop3A_458 = vector.shape_cast %parallel_loop3A_450 : vector<16xf32> to vector<1x1x16xf32>
          tpu.vector_store %arg7[%parallel_loop3A_453, %parallel_loop3A_454, %parallel_loop3A_455], %parallel_loop3A_458 {strides = array<i32>} : memref<2x16x1024xf32, #tpu.memory_space<vmem>>, vector<1x1x16xf32>,
          %parallel_loop3A_459 = arith.mulf %parallel_loop3A_368, %get3A_248 : vector<16xf32>
          %parallel_loop3A_460 = arith.constant 0 : i32
          %parallel_loop3A_461 = arith.constant 10 : i32
          %parallel_loop3A_462 = arith.index_cast %parallel_loop3A_460 : i32 to index
          %parallel_loop3A_463 = arith.index_cast %parallel_loop3A_461 : i32 to index
          %parallel_loop3A_464 = arith.index_cast %parallel_loop3A_317 : i32 to index
          %parallel_loop3A_465 = tpu.vector_load %arg7[%parallel_loop3A_462, %parallel_loop3A_463, %parallel_loop3A_464] {strides = array<i32>} : memref<2x16x1024xf32, #tpu.memory_space<vmem>>, vector<1x1x16xf32>,
          %parallel_loop3A_466 = vector.shape_cast %parallel_loop3A_465 : vector<1x1x16xf32> to vector<16xf32>
          %parallel_loop3A_467 = vector.shape_cast %parallel_loop3A_459 : vector<16xf32> to vector<1x1x16xf32>
          tpu.vector_store %arg7[%parallel_loop3A_462, %parallel_loop3A_463, %parallel_loop3A_464], %parallel_loop3A_467 {strides = array<i32>} : memref<2x16x1024xf32, #tpu.memory_space<vmem>>, vector<1x1x16xf32>,
          %parallel_loop3A_468 = arith.mulf %parallel_loop3A_368, %get3A_257 : vector<16xf32>
          %parallel_loop3A_469 = arith.constant 0 : i32
          %parallel_loop3A_470 = arith.constant 11 : i32
          %parallel_loop3A_471 = arith.index_cast %parallel_loop3A_469 : i32 to index
          %parallel_loop3A_472 = arith.index_cast %parallel_loop3A_470 : i32 to index
          %parallel_loop3A_473 = arith.index_cast %parallel_loop3A_317 : i32 to index
          %parallel_loop3A_474 = tpu.vector_load %arg7[%parallel_loop3A_471, %parallel_loop3A_472, %parallel_loop3A_473] {strides = array<i32>} : memref<2x16x1024xf32, #tpu.memory_space<vmem>>, vector<1x1x16xf32>,
          %parallel_loop3A_475 = vector.shape_cast %parallel_loop3A_474 : vector<1x1x16xf32> to vector<16xf32>
          %parallel_loop3A_476 = vector.shape_cast %parallel_loop3A_468 : vector<16xf32> to vector<1x1x16xf32>
          tpu.vector_store %arg7[%parallel_loop3A_471, %parallel_loop3A_472, %parallel_loop3A_473], %parallel_loop3A_476 {strides = array<i32>} : memref<2x16x1024xf32, #tpu.memory_space<vmem>>, vector<1x1x16xf32>,
          %parallel_loop3A_477 = arith.mulf %parallel_loop3A_368, %get3A_266 : vector<16xf32>
          %parallel_loop3A_478 = arith.constant 0 : i32
          %parallel_loop3A_479 = arith.constant 12 : i32
          %parallel_loop3A_480 = arith.index_cast %parallel_loop3A_478 : i32 to index
          %parallel_loop3A_481 = arith.index_cast %parallel_loop3A_479 : i32 to index
          %parallel_loop3A_482 = arith.index_cast %parallel_loop3A_317 : i32 to index
          %parallel_loop3A_483 = tpu.vector_load %arg7[%parallel_loop3A_480, %parallel_loop3A_481, %parallel_loop3A_482] {strides = array<i32>} : memref<2x16x1024xf32, #tpu.memory_space<vmem>>, vector<1x1x16xf32>,
          %parallel_loop3A_484 = vector.shape_cast %parallel_loop3A_483 : vector<1x1x16xf32> to vector<16xf32>
          %parallel_loop3A_485 = vector.shape_cast %parallel_loop3A_477 : vector<16xf32> to vector<1x1x16xf32>
          tpu.vector_store %arg7[%parallel_loop3A_480, %parallel_loop3A_481, %parallel_loop3A_482], %parallel_loop3A_485 {strides = array<i32>} : memref<2x16x1024xf32, #tpu.memory_space<vmem>>, vector<1x1x16xf32>,
          %parallel_loop3A_486 = arith.mulf %parallel_loop3A_368, %get3A_275 : vector<16xf32>
          %parallel_loop3A_487 = arith.constant 0 : i32
          %parallel_loop3A_488 = arith.constant 13 : i32
          %parallel_loop3A_489 = arith.index_cast %parallel_loop3A_487 : i32 to index
          %parallel_loop3A_490 = arith.index_cast %parallel_loop3A_488 : i32 to index
          %parallel_loop3A_491 = arith.index_cast %parallel_loop3A_317 : i32 to index
          %parallel_loop3A_492 = tpu.vector_load %arg7[%parallel_loop3A_489, %parallel_loop3A_490, %parallel_loop3A_491] {strides = array<i32>} : memref<2x16x1024xf32, #tpu.memory_space<vmem>>, vector<1x1x16xf32>,
          %parallel_loop3A_493 = vector.shape_cast %parallel_loop3A_492 : vector<1x1x16xf32> to vector<16xf32>
          %parallel_loop3A_494 = vector.shape_cast %parallel_loop3A_486 : vector<16xf32> to vector<1x1x16xf32>
          tpu.vector_store %arg7[%parallel_loop3A_489, %parallel_loop3A_490, %parallel_loop3A_491], %parallel_loop3A_494 {strides = array<i32>} : memref<2x16x1024xf32, #tpu.memory_space<vmem>>, vector<1x1x16xf32>,
          %parallel_loop3A_495 = arith.mulf %parallel_loop3A_368, %get3A_284 : vector<16xf32>
          %parallel_loop3A_496 = arith.constant 0 : i32
          %parallel_loop3A_497 = arith.constant 14 : i32
          %parallel_loop3A_498 = arith.index_cast %parallel_loop3A_496 : i32 to index
          %parallel_loop3A_499 = arith.index_cast %parallel_loop3A_497 : i32 to index
          %parallel_loop3A_500 = arith.index_cast %parallel_loop3A_317 : i32 to index
          %parallel_loop3A_501 = tpu.vector_load %arg7[%parallel_loop3A_498, %parallel_loop3A_499, %parallel_loop3A_500] {strides = array<i32>} : memref<2x16x1024xf32, #tpu.memory_space<vmem>>, vector<1x1x16xf32>,
          %parallel_loop3A_502 = vector.shape_cast %parallel_loop3A_501 : vector<1x1x16xf32> to vector<16xf32>
          %parallel_loop3A_503 = vector.shape_cast %parallel_loop3A_495 : vector<16xf32> to vector<1x1x16xf32>
          tpu.vector_store %arg7[%parallel_loop3A_498, %parallel_loop3A_499, %parallel_loop3A_500], %parallel_loop3A_503 {strides = array<i32>} : memref<2x16x1024xf32, #tpu.memory_space<vmem>>, vector<1x1x16xf32>,
          %parallel_loop3A_504 = arith.mulf %parallel_loop3A_368, %get3A_293 : vector<16xf32>
          %parallel_loop3A_505 = arith.constant 0 : i32
          %parallel_loop3A_506 = arith.constant 15 : i32
          %parallel_loop3A_507 = arith.index_cast %parallel_loop3A_505 : i32 to index
          %parallel_loop3A_508 = arith.index_cast %parallel_loop3A_506 : i32 to index
          %parallel_loop3A_509 = arith.index_cast %parallel_loop3A_317 : i32 to index
          %parallel_loop3A_510 = tpu.vector_load %arg7[%parallel_loop3A_507, %parallel_loop3A_508, %parallel_loop3A_509] {strides = array<i32>} : memref<2x16x1024xf32, #tpu.memory_space<vmem>>, vector<1x1x16xf32>,
          %parallel_loop3A_511 = vector.shape_cast %parallel_loop3A_510 : vector<1x1x16xf32> to vector<16xf32>
          %parallel_loop3A_512 = vector.shape_cast %parallel_loop3A_504 : vector<16xf32> to vector<1x1x16xf32>
          tpu.vector_store %arg7[%parallel_loop3A_507, %parallel_loop3A_508, %parallel_loop3A_509], %parallel_loop3A_512 {strides = array<i32>} : memref<2x16x1024xf32, #tpu.memory_space<vmem>>, vector<1x1x16xf32>,
        } {sc.loop_unroll_factor = 4 : i64, sc.parallel_access}
        %dma_start3A = arith.constant 0 : i32
        %dma_start3A_296 = arith.constant 0 : i32
        %dma_start3A_297 = arith.constant 0 : i32
        %dma_start3A_298 = arith.constant 0 : i32
        %dma_start3A_299 = tpu.memref_slice %arg7[%dma_start3A, %dma_start3A_297, %dma_start3A_298] : memref<2x16x1024xf32, #tpu.memory_space<vmem>> -> memref<1x16x1024xf32, #tpu.memory_space<vmem>>
        %dma_start3A_300 = tpu.memref_squeeze %dma_start3A_299 : memref<1x16x1024xf32, #tpu.memory_space<vmem>> -> memref<16x1024xf32, #tpu.memory_space<vmem>>
        %dma_start3A_301 = arith.constant 0 : i32
        %dma_start3A_302 = arith.constant 0 : i32
        %dma_start3A_303 = tpu.memref_slice %arg4[%select_n3A_137, %sub3A_140, %dma_start3A_301, %dma_start3A_302] : memref<20x100x16x1024xf32, #tpu.memory_space<hbm>> -> memref<1x1x16x1024xf32, #tpu.memory_space<hbm>>
        %dma_start3A_304 = tpu.memref_squeeze %dma_start3A_303 : memref<1x1x16x1024xf32, #tpu.memory_space<hbm>> -> memref<16x1024xf32, #tpu.memory_space<hbm>>
        %dma_start3A_305 = tpu.memref_slice %arg8[%dma_start3A_296] : memref<2x!tpu.dma_semaphore, #tpu.memory_space<semaphore_mem>> -> memref<1x!tpu.dma_semaphore, #tpu.memory_space<semaphore_mem>>
        %dma_start3A_306 = tpu.memref_squeeze %dma_start3A_305 : memref<1x!tpu.dma_semaphore, #tpu.memory_space<semaphore_mem>> -> memref<!tpu.dma_semaphore, #tpu.memory_space<semaphore_mem>>
        %dma_start3A_307 = arith.constant 0 : i32
        %dma_start3A_308 = arith.constant 0 : i32
        %dma_start3A_309 = tpu.memref_slice %arg4[%select_n3A_137, %sub3A_140, %dma_start3A_307, %dma_start3A_308] : memref<20x100x16x1024xf32, #tpu.memory_space<hbm>> -> memref<1x1x16x1024xf32, #tpu.memory_space<hbm>>
        %dma_start3A_310 = tpu.memref_squeeze %dma_start3A_309 : memref<1x1x16x1024xf32, #tpu.memory_space<hbm>> -> memref<16x1024xf32, #tpu.memory_space<hbm>>
        %dma_start3A_311 = arith.constant 0 : i32
        %dma_start3A_312 = arith.constant 0 : i32
        %dma_start3A_313 = tpu.memref_slice %arg7[%dma_start3A, %dma_start3A_311, %dma_start3A_312] : memref<2x16x1024xf32, #tpu.memory_space<vmem>> -> memref<1x16x1024xf32, #tpu.memory_space<vmem>>
        %dma_start3A_314 = tpu.memref_squeeze %dma_start3A_313 : memref<1x16x1024xf32, #tpu.memory_space<vmem>> -> memref<16x1024xf32, #tpu.memory_space<vmem>>
        tpu.enqueue_dma source(%dma_start3A_314 : memref<16x1024xf32, #tpu.memory_space<vmem>>) target(%dma_start3A_310 : memref<16x1024xf32, #tpu.memory_space<hbm>>) target_semaphore(%dma_start3A_306 : memref<!tpu.dma_semaphore, #tpu.memory_space<semaphore_mem>>)
      } else {
      }
      %add3A_108 = arith.constant 1 : i32
      %add3A_109 = arith.addi %add3A_106, %add3A_108 : i32
      %lt3A_110 = arith.cmpi slt, %add3A_109, %add3A_30 : i32
      %convert_element_type3A_111 = arith.extui %lt3A_110 : i1 to i32
      %cond3A_112 = arith.constant 0 : i32
      %cond3A_113 = arith.cmpi ne, %convert_element_type3A_111, %cond3A_112 : i32
      scf.if %cond3A_113 {
        %add3A_114 = arith.constant 1 : i32
        %add3A_115 = arith.addi %add3A_106, %add3A_114 : i32
        %jit3A_116 = arith.constant 100 : i32
        %div3A_117 = arith.divsi %add3A_115, %jit3A_116 : i32
        %sign3A_118 = arith.constant 0 : i32
        %sign3A_119 = arith.cmpi sgt, %add3A_115, %sign3A_118 : i32
        %sign3A_120 = arith.extui %sign3A_119 : i1 to i32
        %sign3A_121 = arith.constant 0 : i32
        %sign3A_122 = arith.cmpi slt, %add3A_115, %sign3A_121 : i32
        %sign3A_123 = arith.extui %sign3A_122 : i1 to i32
        %sign3A_124 = arith.subi %sign3A_120, %sign3A_123 : i32
        %sign3A_125 = arith.constant 0 : i32
        %sign3A_126 = arith.cmpi sgt, %jit3A_116, %sign3A_125 : i32
        %sign3A_127 = arith.extui %sign3A_126 : i1 to i32
        %sign3A_128 = arith.constant 0 : i32
        %sign3A_129 = arith.cmpi slt, %jit3A_116, %sign3A_128 : i32
        %sign3A_130 = arith.extui %sign3A_129 : i1 to i32
        %sign3A_131 = arith.subi %sign3A_127, %sign3A_130 : i32
        %ne3A_132 = arith.cmpi ne, %sign3A_124, %sign3A_131 : i32
        %rem3A_133 = arith.remsi %add3A_115, %jit3A_116 : i32
        %ne3A_134 = arith.constant 0 : i32
        %ne3A_135 = arith.cmpi ne, %rem3A_133, %ne3A_134 : i32
        %and3A_136 = arith.andi %ne3A_132, %ne3A_135 : i1
        %sub3A_137 = arith.constant 1 : i32
        %sub3A_138 = arith.subi %div3A_117, %sub3A_137 : i32
        %select_n3A_139 = arith.select %and3A_136, %sub3A_138, %div3A_117 : i32
        %mul3A_140 = arith.constant 100 : i32
        %mul3A_141 = arith.muli %select_n3A_139, %mul3A_140 : i32
        %sub3A_142 = arith.subi %add3A_115, %mul3A_141 : i32
        %gt3A = arith.cmpi sgt, %add3A_115, %add3A_27 : i32
        %eq3A = arith.constant 0 : i32
        %eq3A_143 = arith.cmpi eq, %sub3A_142, %eq3A : i32
        %and3A_144 = arith.andi %gt3A, %eq3A_143 : i1
        %convert_element_type3A_145 = arith.extui %and3A_144 : i1 to i32
        %cond3A_146 = arith.constant 0 : i32
        %cond3A_147 = arith.cmpi ne, %convert_element_type3A_145, %cond3A_146 : i32
        scf.if %cond3A_147 {
          "tpu.region"() ({
            %run_scoped3A = tpu.sem_alloc : memref<!tpu.dma_semaphore, #tpu.memory_space<semaphore_mem>>
            %dma_start3A_317 = arith.constant 0 : i32
            %dma_start3A_318 = arith.constant 0 : i32
            %dma_start3A_319 = tpu.memref_slice %arg2[%select_n3A_139, %dma_start3A_317, %dma_start3A_318] : memref<20x4x1024xi32, #tpu.memory_space<hbm>> -> memref<1x4x1024xi32, #tpu.memory_space<hbm>>
            %dma_start3A_320 = tpu.memref_squeeze %dma_start3A_319 : memref<1x4x1024xi32, #tpu.memory_space<hbm>> -> memref<4x1024xi32, #tpu.memory_space<hbm>>
            %dma_start3A_321 = arith.constant 0 : i32
            %dma_start3A_322 = arith.constant 0 : i32
            %dma_start3A_323 = tpu.memref_slice %arg2[%select_n3A_139, %dma_start3A_321, %dma_start3A_322] : memref<20x4x1024xi32, #tpu.memory_space<hbm>> -> memref<1x4x1024xi32, #tpu.memory_space<hbm>>
            %dma_start3A_324 = tpu.memref_squeeze %dma_start3A_323 : memref<1x4x1024xi32, #tpu.memory_space<hbm>> -> memref<4x1024xi32, #tpu.memory_space<hbm>>
            tpu.enqueue_dma source(%dma_start3A_324 : memref<4x1024xi32, #tpu.memory_space<hbm>>) target(%arg5 : memref<4x1024xi32, #tpu.memory_space<vmem>>) target_semaphore(%run_scoped3A : memref<!tpu.dma_semaphore, #tpu.memory_space<semaphore_mem>>)
            %dma_wait3A_325 = arith.constant 0 : i32
            %dma_wait3A_326 = arith.constant 0 : i32
            %dma_wait3A_327 = tpu.memref_slice %arg2[%select_n3A_139, %dma_wait3A_325, %dma_wait3A_326] : memref<20x4x1024xi32, #tpu.memory_space<hbm>> -> memref<1x4x1024xi32, #tpu.memory_space<hbm>>
            %dma_wait3A_328 = tpu.memref_squeeze %dma_wait3A_327 : memref<1x4x1024xi32, #tpu.memory_space<hbm>> -> memref<4x1024xi32, #tpu.memory_space<hbm>>
            %dma_wait3A_329 = arith.constant 0 : i32
            %dma_wait3A_330 = arith.constant 0 : i32
            %dma_wait3A_331 = tpu.memref_slice %arg2[%select_n3A_139, %dma_wait3A_329, %dma_wait3A_330] : memref<20x4x1024xi32, #tpu.memory_space<hbm>> -> memref<1x4x1024xi32, #tpu.memory_space<hbm>>
            %dma_wait3A_332 = tpu.memref_squeeze %dma_wait3A_331 : memref<1x4x1024xi32, #tpu.memory_space<hbm>> -> memref<4x1024xi32, #tpu.memory_space<hbm>>
            tpu.wait_dma2 semaphore(%run_scoped3A : memref<!tpu.dma_semaphore, #tpu.memory_space<semaphore_mem>>) src(%dma_wait3A_332 : memref<4x1024xi32, #tpu.memory_space<hbm>>) dst(%arg5 : memref<4x1024xi32, #tpu.memory_space<vmem>>)
            tpu.yield
          }) : () -> ()
        } else {
        }
        %add3A_148 = arith.constant 2 : i32
        %add3A_149 = arith.addi %add3A_27, %add3A_148 : i32
        %ge3A = arith.cmpi sge, %add3A_115, %add3A_149 : i32
        %convert_element_type3A_150 = arith.extui %ge3A : i1 to i32
        %cond3A_151 = arith.constant 0 : i32
        %cond3A_152 = arith.cmpi ne, %convert_element_type3A_150, %cond3A_151 : i32
        scf.if %cond3A_152 {
          %dma_wait3A_317 = arith.constant 1 : i32
          %dma_wait3A_318 = arith.constant 1 : i32
          %dma_wait3A_319 = arith.constant 0 : i32
          %dma_wait3A_320 = arith.constant 0 : i32
          %dma_wait3A_321 = tpu.memref_slice %arg7[%dma_wait3A_317, %dma_wait3A_319, %dma_wait3A_320] : memref<2x16x1024xf32, #tpu.memory_space<vmem>> -> memref<1x16x1024xf32, #tpu.memory_space<vmem>>
          %dma_wait3A_322 = tpu.memref_squeeze %dma_wait3A_321 : memref<1x16x1024xf32, #tpu.memory_space<vmem>> -> memref<16x1024xf32, #tpu.memory_space<vmem>>
          %dma_wait3A_323 = arith.constant 0 : i32
          %dma_wait3A_324 = arith.constant 0 : i32
          %dma_wait3A_325 = tpu.memref_slice %arg4[%select_n3A_139, %sub3A_142, %dma_wait3A_323, %dma_wait3A_324] : memref<20x100x16x1024xf32, #tpu.memory_space<hbm>> -> memref<1x1x16x1024xf32, #tpu.memory_space<hbm>>
          %dma_wait3A_326 = tpu.memref_squeeze %dma_wait3A_325 : memref<1x1x16x1024xf32, #tpu.memory_space<hbm>> -> memref<16x1024xf32, #tpu.memory_space<hbm>>
          %dma_wait3A_327 = tpu.memref_slice %arg8[%dma_wait3A_318] : memref<2x!tpu.dma_semaphore, #tpu.memory_space<semaphore_mem>> -> memref<1x!tpu.dma_semaphore, #tpu.memory_space<semaphore_mem>>
          %dma_wait3A_328 = tpu.memref_squeeze %dma_wait3A_327 : memref<1x!tpu.dma_semaphore, #tpu.memory_space<semaphore_mem>> -> memref<!tpu.dma_semaphore, #tpu.memory_space<semaphore_mem>>
          %dma_wait3A_329 = arith.constant 0 : i32
          %dma_wait3A_330 = arith.constant 0 : i32
          %dma_wait3A_331 = tpu.memref_slice %arg4[%select_n3A_139, %sub3A_142, %dma_wait3A_329, %dma_wait3A_330] : memref<20x100x16x1024xf32, #tpu.memory_space<hbm>> -> memref<1x1x16x1024xf32, #tpu.memory_space<hbm>>
          %dma_wait3A_332 = tpu.memref_squeeze %dma_wait3A_331 : memref<1x1x16x1024xf32, #tpu.memory_space<hbm>> -> memref<16x1024xf32, #tpu.memory_space<hbm>>
          %dma_wait3A_333 = arith.constant 0 : i32
          %dma_wait3A_334 = arith.constant 0 : i32
          %dma_wait3A_335 = tpu.memref_slice %arg7[%dma_wait3A_317, %dma_wait3A_333, %dma_wait3A_334] : memref<2x16x1024xf32, #tpu.memory_space<vmem>> -> memref<1x16x1024xf32, #tpu.memory_space<vmem>>
          %dma_wait3A_336 = tpu.memref_squeeze %dma_wait3A_335 : memref<1x16x1024xf32, #tpu.memory_space<vmem>> -> memref<16x1024xf32, #tpu.memory_space<vmem>>
          tpu.wait_dma2 semaphore(%dma_wait3A_328 : memref<!tpu.dma_semaphore, #tpu.memory_space<semaphore_mem>>) src(%dma_wait3A_336 : memref<16x1024xf32, #tpu.memory_space<vmem>>) dst(%dma_wait3A_332 : memref<16x1024xf32, #tpu.memory_space<hbm>>)
        } else {
        }
        %mul3A_153 = arith.constant 16 : i32
        %mul3A_154 = arith.muli %sub3A_142, %mul3A_153 : i32
        %add3A_155 = arith.constant 0 : i32
        %add3A_156 = arith.addi %mul3A_154, %add3A_155 : i32
        %mul3A_157 = arith.constant 16 : i32
        %mul3A_158 = arith.muli %add3A_156, %mul3A_157 : i32
        %get3A = arith.index_cast %mul3A_158 : i32 to index
        %get3A_159 = tpu.vector_load %arg6[%get3A] {strides = array<i32>} : memref<25856xf32, #tpu.memory_space<vmem>>, vector<16xf32>,
        %get3A_160 = vector.shape_cast %get3A_159 : vector<16xf32> to vector<16xf32>
        %mul3A_161 = arith.constant 16 : i32
        %mul3A_162 = arith.muli %sub3A_142, %mul3A_161 : i32
        %add3A_163 = arith.constant 1 : i32
        %add3A_164 = arith.addi %mul3A_162, %add3A_163 : i32
        %mul3A_165 = arith.constant 16 : i32
        %mul3A_166 = arith.muli %add3A_164, %mul3A_165 : i32
        %get3A_167 = arith.index_cast %mul3A_166 : i32 to index
        %get3A_168 = tpu.vector_load %arg6[%get3A_167] {strides = array<i32>} : memref<25856xf32, #tpu.memory_space<vmem>>, vector<16xf32>,
        %get3A_169 = vector.shape_cast %get3A_168 : vector<16xf32> to vector<16xf32>
        %mul3A_170 = arith.constant 16 : i32
        %mul3A_171 = arith.muli %sub3A_142, %mul3A_170 : i32
        %add3A_172 = arith.constant 2 : i32
        %add3A_173 = arith.addi %mul3A_171, %add3A_172 : i32
        %mul3A_174 = arith.constant 16 : i32
        %mul3A_175 = arith.muli %add3A_173, %mul3A_174 : i32
        %get3A_176 = arith.index_cast %mul3A_175 : i32 to index
        %get3A_177 = tpu.vector_load %arg6[%get3A_176] {strides = array<i32>} : memref<25856xf32, #tpu.memory_space<vmem>>, vector<16xf32>,
        %get3A_178 = vector.shape_cast %get3A_177 : vector<16xf32> to vector<16xf32>
        %mul3A_179 = arith.constant 16 : i32
        %mul3A_180 = arith.muli %sub3A_142, %mul3A_179 : i32
        %add3A_181 = arith.constant 3 : i32
        %add3A_182 = arith.addi %mul3A_180, %add3A_181 : i32
        %mul3A_183 = arith.constant 16 : i32
        %mul3A_184 = arith.muli %add3A_182, %mul3A_183 : i32
        %get3A_185 = arith.index_cast %mul3A_184 : i32 to index
        %get3A_186 = tpu.vector_load %arg6[%get3A_185] {strides = array<i32>} : memref<25856xf32, #tpu.memory_space<vmem>>, vector<16xf32>,
        %get3A_187 = vector.shape_cast %get3A_186 : vector<16xf32> to vector<16xf32>
        %mul3A_188 = arith.constant 16 : i32
        %mul3A_189 = arith.muli %sub3A_142, %mul3A_188 : i32
        %add3A_190 = arith.constant 4 : i32
        %add3A_191 = arith.addi %mul3A_189, %add3A_190 : i32
        %mul3A_192 = arith.constant 16 : i32
        %mul3A_193 = arith.muli %add3A_191, %mul3A_192 : i32
        %get3A_194 = arith.index_cast %mul3A_193 : i32 to index
        %get3A_195 = tpu.vector_load %arg6[%get3A_194] {strides = array<i32>} : memref<25856xf32, #tpu.memory_space<vmem>>, vector<16xf32>,
        %get3A_196 = vector.shape_cast %get3A_195 : vector<16xf32> to vector<16xf32>
        %mul3A_197 = arith.constant 16 : i32
        %mul3A_198 = arith.muli %sub3A_142, %mul3A_197 : i32
        %add3A_199 = arith.constant 5 : i32
        %add3A_200 = arith.addi %mul3A_198, %add3A_199 : i32
        %mul3A_201 = arith.constant 16 : i32
        %mul3A_202 = arith.muli %add3A_200, %mul3A_201 : i32
        %get3A_203 = arith.index_cast %mul3A_202 : i32 to index
        %get3A_204 = tpu.vector_load %arg6[%get3A_203] {strides = array<i32>} : memref<25856xf32, #tpu.memory_space<vmem>>, vector<16xf32>,
        %get3A_205 = vector.shape_cast %get3A_204 : vector<16xf32> to vector<16xf32>
        %mul3A_206 = arith.constant 16 : i32
        %mul3A_207 = arith.muli %sub3A_142, %mul3A_206 : i32
        %add3A_208 = arith.constant 6 : i32
        %add3A_209 = arith.addi %mul3A_207, %add3A_208 : i32
        %mul3A_210 = arith.constant 16 : i32
        %mul3A_211 = arith.muli %add3A_209, %mul3A_210 : i32
        %get3A_212 = arith.index_cast %mul3A_211 : i32 to index
        %get3A_213 = tpu.vector_load %arg6[%get3A_212] {strides = array<i32>} : memref<25856xf32, #tpu.memory_space<vmem>>, vector<16xf32>,
        %get3A_214 = vector.shape_cast %get3A_213 : vector<16xf32> to vector<16xf32>
        %mul3A_215 = arith.constant 16 : i32
        %mul3A_216 = arith.muli %sub3A_142, %mul3A_215 : i32
        %add3A_217 = arith.constant 7 : i32
        %add3A_218 = arith.addi %mul3A_216, %add3A_217 : i32
        %mul3A_219 = arith.constant 16 : i32
        %mul3A_220 = arith.muli %add3A_218, %mul3A_219 : i32
        %get3A_221 = arith.index_cast %mul3A_220 : i32 to index
        %get3A_222 = tpu.vector_load %arg6[%get3A_221] {strides = array<i32>} : memref<25856xf32, #tpu.memory_space<vmem>>, vector<16xf32>,
        %get3A_223 = vector.shape_cast %get3A_222 : vector<16xf32> to vector<16xf32>
        %mul3A_224 = arith.constant 16 : i32
        %mul3A_225 = arith.muli %sub3A_142, %mul3A_224 : i32
        %add3A_226 = arith.constant 8 : i32
        %add3A_227 = arith.addi %mul3A_225, %add3A_226 : i32
        %mul3A_228 = arith.constant 16 : i32
        %mul3A_229 = arith.muli %add3A_227, %mul3A_228 : i32
        %get3A_230 = arith.index_cast %mul3A_229 : i32 to index
        %get3A_231 = tpu.vector_load %arg6[%get3A_230] {strides = array<i32>} : memref<25856xf32, #tpu.memory_space<vmem>>, vector<16xf32>,
        %get3A_232 = vector.shape_cast %get3A_231 : vector<16xf32> to vector<16xf32>
        %mul3A_233 = arith.constant 16 : i32
        %mul3A_234 = arith.muli %sub3A_142, %mul3A_233 : i32
        %add3A_235 = arith.constant 9 : i32
        %add3A_236 = arith.addi %mul3A_234, %add3A_235 : i32
        %mul3A_237 = arith.constant 16 : i32
        %mul3A_238 = arith.muli %add3A_236, %mul3A_237 : i32
        %get3A_239 = arith.index_cast %mul3A_238 : i32 to index
        %get3A_240 = tpu.vector_load %arg6[%get3A_239] {strides = array<i32>} : memref<25856xf32, #tpu.memory_space<vmem>>, vector<16xf32>,
        %get3A_241 = vector.shape_cast %get3A_240 : vector<16xf32> to vector<16xf32>
        %mul3A_242 = arith.constant 16 : i32
        %mul3A_243 = arith.muli %sub3A_142, %mul3A_242 : i32
        %add3A_244 = arith.constant 10 : i32
        %add3A_245 = arith.addi %mul3A_243, %add3A_244 : i32
        %mul3A_246 = arith.constant 16 : i32
        %mul3A_247 = arith.muli %add3A_245, %mul3A_246 : i32
        %get3A_248 = arith.index_cast %mul3A_247 : i32 to index
        %get3A_249 = tpu.vector_load %arg6[%get3A_248] {strides = array<i32>} : memref<25856xf32, #tpu.memory_space<vmem>>, vector<16xf32>,
        %get3A_250 = vector.shape_cast %get3A_249 : vector<16xf32> to vector<16xf32>
        %mul3A_251 = arith.constant 16 : i32
        %mul3A_252 = arith.muli %sub3A_142, %mul3A_251 : i32
        %add3A_253 = arith.constant 11 : i32
        %add3A_254 = arith.addi %mul3A_252, %add3A_253 : i32
        %mul3A_255 = arith.constant 16 : i32
        %mul3A_256 = arith.muli %add3A_254, %mul3A_255 : i32
        %get3A_257 = arith.index_cast %mul3A_256 : i32 to index
        %get3A_258 = tpu.vector_load %arg6[%get3A_257] {strides = array<i32>} : memref<25856xf32, #tpu.memory_space<vmem>>, vector<16xf32>,
        %get3A_259 = vector.shape_cast %get3A_258 : vector<16xf32> to vector<16xf32>
        %mul3A_260 = arith.constant 16 : i32
        %mul3A_261 = arith.muli %sub3A_142, %mul3A_260 : i32
        %add3A_262 = arith.constant 12 : i32
        %add3A_263 = arith.addi %mul3A_261, %add3A_262 : i32
        %mul3A_264 = arith.constant 16 : i32
        %mul3A_265 = arith.muli %add3A_263, %mul3A_264 : i32
        %get3A_266 = arith.index_cast %mul3A_265 : i32 to index
        %get3A_267 = tpu.vector_load %arg6[%get3A_266] {strides = array<i32>} : memref<25856xf32, #tpu.memory_space<vmem>>, vector<16xf32>,
        %get3A_268 = vector.shape_cast %get3A_267 : vector<16xf32> to vector<16xf32>
        %mul3A_269 = arith.constant 16 : i32
        %mul3A_270 = arith.muli %sub3A_142, %mul3A_269 : i32
        %add3A_271 = arith.constant 13 : i32
        %add3A_272 = arith.addi %mul3A_270, %add3A_271 : i32
        %mul3A_273 = arith.constant 16 : i32
        %mul3A_274 = arith.muli %add3A_272, %mul3A_273 : i32
        %get3A_275 = arith.index_cast %mul3A_274 : i32 to index
        %get3A_276 = tpu.vector_load %arg6[%get3A_275] {strides = array<i32>} : memref<25856xf32, #tpu.memory_space<vmem>>, vector<16xf32>,
        %get3A_277 = vector.shape_cast %get3A_276 : vector<16xf32> to vector<16xf32>
        %mul3A_278 = arith.constant 16 : i32
        %mul3A_279 = arith.muli %sub3A_142, %mul3A_278 : i32
        %add3A_280 = arith.constant 14 : i32
        %add3A_281 = arith.addi %mul3A_279, %add3A_280 : i32
        %mul3A_282 = arith.constant 16 : i32
        %mul3A_283 = arith.muli %add3A_281, %mul3A_282 : i32
        %get3A_284 = arith.index_cast %mul3A_283 : i32 to index
        %get3A_285 = tpu.vector_load %arg6[%get3A_284] {strides = array<i32>} : memref<25856xf32, #tpu.memory_space<vmem>>, vector<16xf32>,
        %get3A_286 = vector.shape_cast %get3A_285 : vector<16xf32> to vector<16xf32>
        %mul3A_287 = arith.constant 16 : i32
        %mul3A_288 = arith.muli %sub3A_142, %mul3A_287 : i32
        %add3A_289 = arith.constant 15 : i32
        %add3A_290 = arith.addi %mul3A_288, %add3A_289 : i32
        %mul3A_291 = arith.constant 16 : i32
        %mul3A_292 = arith.muli %add3A_290, %mul3A_291 : i32
        %get3A_293 = arith.index_cast %mul3A_292 : i32 to index
        %get3A_294 = tpu.vector_load %arg6[%get3A_293] {strides = array<i32>} : memref<25856xf32, #tpu.memory_space<vmem>>, vector<16xf32>,
        %get3A_295 = vector.shape_cast %get3A_294 : vector<16xf32> to vector<16xf32>
        %parallel_loop3A = arith.constant 0 : i32
        %parallel_loop3A_296 = arith.constant 64 : i32
        %parallel_loop3A_297 = arith.constant 1 : i32
        scf.for %parallel_loop3A_317 = %parallel_loop3A to %parallel_loop3A_296 step %parallel_loop3A_297  : i32 {
          %parallel_loop3A_318 = arith.constant 16 : i32
          %parallel_loop3A_319 = arith.muli %parallel_loop3A_317, %parallel_loop3A_318 : i32
          %parallel_loop3A_320 = arith.constant 0 : i32
          %parallel_loop3A_321 = arith.index_cast %parallel_loop3A_320 : i32 to index
          %parallel_loop3A_322 = arith.index_cast %parallel_loop3A_319 : i32 to index
          %parallel_loop3A_323 = tpu.vector_load %arg5[%parallel_loop3A_321, %parallel_loop3A_322] {strides = array<i32>} : memref<4x1024xi32, #tpu.memory_space<vmem>>, vector<1x16xi32>,
          %parallel_loop3A_324 = vector.shape_cast %parallel_loop3A_323 : vector<1x16xi32> to vector<16xi32>
          %parallel_loop3A_325 = arith.constant 1 : i32
          %parallel_loop3A_326 = arith.index_cast %parallel_loop3A_325 : i32 to index
          %parallel_loop3A_327 = arith.index_cast %parallel_loop3A_319 : i32 to index
          %parallel_loop3A_328 = tpu.vector_load %arg5[%parallel_loop3A_326, %parallel_loop3A_327] {strides = array<i32>} : memref<4x1024xi32, #tpu.memory_space<vmem>>, vector<1x16xi32>,
          %parallel_loop3A_329 = vector.shape_cast %parallel_loop3A_328 : vector<1x16xi32> to vector<16xi32>
          %parallel_loop3A_330 = arith.constant 2 : i32
          %parallel_loop3A_331 = arith.index_cast %parallel_loop3A_330 : i32 to index
          %parallel_loop3A_332 = arith.index_cast %parallel_loop3A_319 : i32 to index
          %parallel_loop3A_333 = tpu.vector_load %arg5[%parallel_loop3A_331, %parallel_loop3A_332] {strides = array<i32>} : memref<4x1024xi32, #tpu.memory_space<vmem>>, vector<1x16xi32>,
          %parallel_loop3A_334 = vector.shape_cast %parallel_loop3A_333 : vector<1x16xi32> to vector<16xi32>
          %parallel_loop3A_335 = arith.constant 3 : i32
          %parallel_loop3A_336 = arith.index_cast %parallel_loop3A_335 : i32 to index
          %parallel_loop3A_337 = arith.index_cast %parallel_loop3A_319 : i32 to index
          %parallel_loop3A_338 = tpu.vector_load %arg5[%parallel_loop3A_336, %parallel_loop3A_337] {strides = array<i32>} : memref<4x1024xi32, #tpu.memory_space<vmem>>, vector<1x16xi32>,
          %parallel_loop3A_339 = vector.shape_cast %parallel_loop3A_338 : vector<1x16xi32> to vector<16xi32>
          %parallel_loop3A_340 = vector.broadcast %sub3A_142 : i32 to vector<16xi32>
          %parallel_loop3A_341 = arith.subi %parallel_loop3A_324, %parallel_loop3A_340 : vector<16xi32>
          %parallel_loop3A_342 = math.absi %parallel_loop3A_341 : vector<16xi32>
          %parallel_loop3A_343 = arith.constant 1 : i32
          %parallel_loop3A_344 = vector.broadcast %parallel_loop3A_343 : i32 to vector<16xi32>
          %parallel_loop3A_345 = arith.minsi %parallel_loop3A_342, %parallel_loop3A_344 : vector<16xi32>
          %parallel_loop3A_346 = vector.broadcast %sub3A_142 : i32 to vector<16xi32>
          %parallel_loop3A_347 = arith.subi %parallel_loop3A_329, %parallel_loop3A_346 : vector<16xi32>
          %parallel_loop3A_348 = math.absi %parallel_loop3A_347 : vector<16xi32>
          %parallel_loop3A_349 = arith.constant 1 : i32
          %parallel_loop3A_350 = vector.broadcast %parallel_loop3A_349 : i32 to vector<16xi32>
          %parallel_loop3A_351 = arith.minsi %parallel_loop3A_348, %parallel_loop3A_350 : vector<16xi32>
          %parallel_loop3A_352 = arith.addi %parallel_loop3A_345, %parallel_loop3A_351 : vector<16xi32>
          %parallel_loop3A_353 = vector.broadcast %sub3A_142 : i32 to vector<16xi32>
          %parallel_loop3A_354 = arith.subi %parallel_loop3A_334, %parallel_loop3A_353 : vector<16xi32>
          %parallel_loop3A_355 = math.absi %parallel_loop3A_354 : vector<16xi32>
          %parallel_loop3A_356 = arith.constant 1 : i32
          %parallel_loop3A_357 = vector.broadcast %parallel_loop3A_356 : i32 to vector<16xi32>
          %parallel_loop3A_358 = arith.minsi %parallel_loop3A_355, %parallel_loop3A_357 : vector<16xi32>
          %parallel_loop3A_359 = arith.addi %parallel_loop3A_352, %parallel_loop3A_358 : vector<16xi32>
          %parallel_loop3A_360 = vector.broadcast %sub3A_142 : i32 to vector<16xi32>
          %parallel_loop3A_361 = arith.subi %parallel_loop3A_339, %parallel_loop3A_360 : vector<16xi32>
          %parallel_loop3A_362 = math.absi %parallel_loop3A_361 : vector<16xi32>
          %parallel_loop3A_363 = arith.constant 1 : i32
          %parallel_loop3A_364 = vector.broadcast %parallel_loop3A_363 : i32 to vector<16xi32>
          %parallel_loop3A_365 = arith.minsi %parallel_loop3A_362, %parallel_loop3A_364 : vector<16xi32>
          %parallel_loop3A_366 = arith.addi %parallel_loop3A_359, %parallel_loop3A_365 : vector<16xi32>
          %parallel_loop3A_367 = arith.constant 4 : i32
          %parallel_loop3A_368 = vector.broadcast %parallel_loop3A_367 : i32 to vector<16xi32>
          %parallel_loop3A_369 = arith.subi %parallel_loop3A_368, %parallel_loop3A_366 : vector<16xi32>
          %parallel_loop3A_370 = arith.sitofp %parallel_loop3A_369 : vector<16xi32> to vector<16xf32>
          %parallel_loop3A_371 = arith.mulf %parallel_loop3A_370, %get3A_160 : vector<16xf32>
          %parallel_loop3A_372 = arith.constant 1 : i32
          %parallel_loop3A_373 = arith.constant 0 : i32
          %parallel_loop3A_374 = arith.index_cast %parallel_loop3A_372 : i32 to index
          %parallel_loop3A_375 = arith.index_cast %parallel_loop3A_373 : i32 to index
          %parallel_loop3A_376 = arith.index_cast %parallel_loop3A_319 : i32 to index
          %parallel_loop3A_377 = tpu.vector_load %arg7[%parallel_loop3A_374, %parallel_loop3A_375, %parallel_loop3A_376] {strides = array<i32>} : memref<2x16x1024xf32, #tpu.memory_space<vmem>>, vector<1x1x16xf32>,
          %parallel_loop3A_378 = vector.shape_cast %parallel_loop3A_377 : vector<1x1x16xf32> to vector<16xf32>
          %parallel_loop3A_379 = vector.shape_cast %parallel_loop3A_371 : vector<16xf32> to vector<1x1x16xf32>
          tpu.vector_store %arg7[%parallel_loop3A_374, %parallel_loop3A_375, %parallel_loop3A_376], %parallel_loop3A_379 {strides = array<i32>} : memref<2x16x1024xf32, #tpu.memory_space<vmem>>, vector<1x1x16xf32>,
          %parallel_loop3A_380 = arith.mulf %parallel_loop3A_370, %get3A_169 : vector<16xf32>
          %parallel_loop3A_381 = arith.constant 1 : i32
          %parallel_loop3A_382 = arith.constant 1 : i32
          %parallel_loop3A_383 = arith.index_cast %parallel_loop3A_381 : i32 to index
          %parallel_loop3A_384 = arith.index_cast %parallel_loop3A_382 : i32 to index
          %parallel_loop3A_385 = arith.index_cast %parallel_loop3A_319 : i32 to index
          %parallel_loop3A_386 = tpu.vector_load %arg7[%parallel_loop3A_383, %parallel_loop3A_384, %parallel_loop3A_385] {strides = array<i32>} : memref<2x16x1024xf32, #tpu.memory_space<vmem>>, vector<1x1x16xf32>,
          %parallel_loop3A_387 = vector.shape_cast %parallel_loop3A_386 : vector<1x1x16xf32> to vector<16xf32>
          %parallel_loop3A_388 = vector.shape_cast %parallel_loop3A_380 : vector<16xf32> to vector<1x1x16xf32>
          tpu.vector_store %arg7[%parallel_loop3A_383, %parallel_loop3A_384, %parallel_loop3A_385], %parallel_loop3A_388 {strides = array<i32>} : memref<2x16x1024xf32, #tpu.memory_space<vmem>>, vector<1x1x16xf32>,
          %parallel_loop3A_389 = arith.mulf %parallel_loop3A_370, %get3A_178 : vector<16xf32>
          %parallel_loop3A_390 = arith.constant 1 : i32
          %parallel_loop3A_391 = arith.constant 2 : i32
          %parallel_loop3A_392 = arith.index_cast %parallel_loop3A_390 : i32 to index
          %parallel_loop3A_393 = arith.index_cast %parallel_loop3A_391 : i32 to index
          %parallel_loop3A_394 = arith.index_cast %parallel_loop3A_319 : i32 to index
          %parallel_loop3A_395 = tpu.vector_load %arg7[%parallel_loop3A_392, %parallel_loop3A_393, %parallel_loop3A_394] {strides = array<i32>} : memref<2x16x1024xf32, #tpu.memory_space<vmem>>, vector<1x1x16xf32>,
          %parallel_loop3A_396 = vector.shape_cast %parallel_loop3A_395 : vector<1x1x16xf32> to vector<16xf32>
          %parallel_loop3A_397 = vector.shape_cast %parallel_loop3A_389 : vector<16xf32> to vector<1x1x16xf32>
          tpu.vector_store %arg7[%parallel_loop3A_392, %parallel_loop3A_393, %parallel_loop3A_394], %parallel_loop3A_397 {strides = array<i32>} : memref<2x16x1024xf32, #tpu.memory_space<vmem>>, vector<1x1x16xf32>,
          %parallel_loop3A_398 = arith.mulf %parallel_loop3A_370, %get3A_187 : vector<16xf32>
          %parallel_loop3A_399 = arith.constant 1 : i32
          %parallel_loop3A_400 = arith.constant 3 : i32
          %parallel_loop3A_401 = arith.index_cast %parallel_loop3A_399 : i32 to index
          %parallel_loop3A_402 = arith.index_cast %parallel_loop3A_400 : i32 to index
          %parallel_loop3A_403 = arith.index_cast %parallel_loop3A_319 : i32 to index
          %parallel_loop3A_404 = tpu.vector_load %arg7[%parallel_loop3A_401, %parallel_loop3A_402, %parallel_loop3A_403] {strides = array<i32>} : memref<2x16x1024xf32, #tpu.memory_space<vmem>>, vector<1x1x16xf32>,
          %parallel_loop3A_405 = vector.shape_cast %parallel_loop3A_404 : vector<1x1x16xf32> to vector<16xf32>
          %parallel_loop3A_406 = vector.shape_cast %parallel_loop3A_398 : vector<16xf32> to vector<1x1x16xf32>
          tpu.vector_store %arg7[%parallel_loop3A_401, %parallel_loop3A_402, %parallel_loop3A_403], %parallel_loop3A_406 {strides = array<i32>} : memref<2x16x1024xf32, #tpu.memory_space<vmem>>, vector<1x1x16xf32>,
          %parallel_loop3A_407 = arith.mulf %parallel_loop3A_370, %get3A_196 : vector<16xf32>
          %parallel_loop3A_408 = arith.constant 1 : i32
          %parallel_loop3A_409 = arith.constant 4 : i32
          %parallel_loop3A_410 = arith.index_cast %parallel_loop3A_408 : i32 to index
          %parallel_loop3A_411 = arith.index_cast %parallel_loop3A_409 : i32 to index
          %parallel_loop3A_412 = arith.index_cast %parallel_loop3A_319 : i32 to index
          %parallel_loop3A_413 = tpu.vector_load %arg7[%parallel_loop3A_410, %parallel_loop3A_411, %parallel_loop3A_412] {strides = array<i32>} : memref<2x16x1024xf32, #tpu.memory_space<vmem>>, vector<1x1x16xf32>,
          %parallel_loop3A_414 = vector.shape_cast %parallel_loop3A_413 : vector<1x1x16xf32> to vector<16xf32>
          %parallel_loop3A_415 = vector.shape_cast %parallel_loop3A_407 : vector<16xf32> to vector<1x1x16xf32>
          tpu.vector_store %arg7[%parallel_loop3A_410, %parallel_loop3A_411, %parallel_loop3A_412], %parallel_loop3A_415 {strides = array<i32>} : memref<2x16x1024xf32, #tpu.memory_space<vmem>>, vector<1x1x16xf32>,
          %parallel_loop3A_416 = arith.mulf %parallel_loop3A_370, %get3A_205 : vector<16xf32>
          %parallel_loop3A_417 = arith.constant 1 : i32
          %parallel_loop3A_418 = arith.constant 5 : i32
          %parallel_loop3A_419 = arith.index_cast %parallel_loop3A_417 : i32 to index
          %parallel_loop3A_420 = arith.index_cast %parallel_loop3A_418 : i32 to index
          %parallel_loop3A_421 = arith.index_cast %parallel_loop3A_319 : i32 to index
          %parallel_loop3A_422 = tpu.vector_load %arg7[%parallel_loop3A_419, %parallel_loop3A_420, %parallel_loop3A_421] {strides = array<i32>} : memref<2x16x1024xf32, #tpu.memory_space<vmem>>, vector<1x1x16xf32>,
          %parallel_loop3A_423 = vector.shape_cast %parallel_loop3A_422 : vector<1x1x16xf32> to vector<16xf32>
          %parallel_loop3A_424 = vector.shape_cast %parallel_loop3A_416 : vector<16xf32> to vector<1x1x16xf32>
          tpu.vector_store %arg7[%parallel_loop3A_419, %parallel_loop3A_420, %parallel_loop3A_421], %parallel_loop3A_424 {strides = array<i32>} : memref<2x16x1024xf32, #tpu.memory_space<vmem>>, vector<1x1x16xf32>,
          %parallel_loop3A_425 = arith.mulf %parallel_loop3A_370, %get3A_214 : vector<16xf32>
          %parallel_loop3A_426 = arith.constant 1 : i32
          %parallel_loop3A_427 = arith.constant 6 : i32
          %parallel_loop3A_428 = arith.index_cast %parallel_loop3A_426 : i32 to index
          %parallel_loop3A_429 = arith.index_cast %parallel_loop3A_427 : i32 to index
          %parallel_loop3A_430 = arith.index_cast %parallel_loop3A_319 : i32 to index
          %parallel_loop3A_431 = tpu.vector_load %arg7[%parallel_loop3A_428, %parallel_loop3A_429, %parallel_loop3A_430] {strides = array<i32>} : memref<2x16x1024xf32, #tpu.memory_space<vmem>>, vector<1x1x16xf32>,
          %parallel_loop3A_432 = vector.shape_cast %parallel_loop3A_431 : vector<1x1x16xf32> to vector<16xf32>
          %parallel_loop3A_433 = vector.shape_cast %parallel_loop3A_425 : vector<16xf32> to vector<1x1x16xf32>
          tpu.vector_store %arg7[%parallel_loop3A_428, %parallel_loop3A_429, %parallel_loop3A_430], %parallel_loop3A_433 {strides = array<i32>} : memref<2x16x1024xf32, #tpu.memory_space<vmem>>, vector<1x1x16xf32>,
          %parallel_loop3A_434 = arith.mulf %parallel_loop3A_370, %get3A_223 : vector<16xf32>
          %parallel_loop3A_435 = arith.constant 1 : i32
          %parallel_loop3A_436 = arith.constant 7 : i32
          %parallel_loop3A_437 = arith.index_cast %parallel_loop3A_435 : i32 to index
          %parallel_loop3A_438 = arith.index_cast %parallel_loop3A_436 : i32 to index
          %parallel_loop3A_439 = arith.index_cast %parallel_loop3A_319 : i32 to index
          %parallel_loop3A_440 = tpu.vector_load %arg7[%parallel_loop3A_437, %parallel_loop3A_438, %parallel_loop3A_439] {strides = array<i32>} : memref<2x16x1024xf32, #tpu.memory_space<vmem>>, vector<1x1x16xf32>,
          %parallel_loop3A_441 = vector.shape_cast %parallel_loop3A_440 : vector<1x1x16xf32> to vector<16xf32>
          %parallel_loop3A_442 = vector.shape_cast %parallel_loop3A_434 : vector<16xf32> to vector<1x1x16xf32>
          tpu.vector_store %arg7[%parallel_loop3A_437, %parallel_loop3A_438, %parallel_loop3A_439], %parallel_loop3A_442 {strides = array<i32>} : memref<2x16x1024xf32, #tpu.memory_space<vmem>>, vector<1x1x16xf32>,
          %parallel_loop3A_443 = arith.mulf %parallel_loop3A_370, %get3A_232 : vector<16xf32>
          %parallel_loop3A_444 = arith.constant 1 : i32
          %parallel_loop3A_445 = arith.constant 8 : i32
          %parallel_loop3A_446 = arith.index_cast %parallel_loop3A_444 : i32 to index
          %parallel_loop3A_447 = arith.index_cast %parallel_loop3A_445 : i32 to index
          %parallel_loop3A_448 = arith.index_cast %parallel_loop3A_319 : i32 to index
          %parallel_loop3A_449 = tpu.vector_load %arg7[%parallel_loop3A_446, %parallel_loop3A_447, %parallel_loop3A_448] {strides = array<i32>} : memref<2x16x1024xf32, #tpu.memory_space<vmem>>, vector<1x1x16xf32>,
          %parallel_loop3A_450 = vector.shape_cast %parallel_loop3A_449 : vector<1x1x16xf32> to vector<16xf32>
          %parallel_loop3A_451 = vector.shape_cast %parallel_loop3A_443 : vector<16xf32> to vector<1x1x16xf32>
          tpu.vector_store %arg7[%parallel_loop3A_446, %parallel_loop3A_447, %parallel_loop3A_448], %parallel_loop3A_451 {strides = array<i32>} : memref<2x16x1024xf32, #tpu.memory_space<vmem>>, vector<1x1x16xf32>,
          %parallel_loop3A_452 = arith.mulf %parallel_loop3A_370, %get3A_241 : vector<16xf32>
          %parallel_loop3A_453 = arith.constant 1 : i32
          %parallel_loop3A_454 = arith.constant 9 : i32
          %parallel_loop3A_455 = arith.index_cast %parallel_loop3A_453 : i32 to index
          %parallel_loop3A_456 = arith.index_cast %parallel_loop3A_454 : i32 to index
          %parallel_loop3A_457 = arith.index_cast %parallel_loop3A_319 : i32 to index
          %parallel_loop3A_458 = tpu.vector_load %arg7[%parallel_loop3A_455, %parallel_loop3A_456, %parallel_loop3A_457] {strides = array<i32>} : memref<2x16x1024xf32, #tpu.memory_space<vmem>>, vector<1x1x16xf32>,
          %parallel_loop3A_459 = vector.shape_cast %parallel_loop3A_458 : vector<1x1x16xf32> to vector<16xf32>
          %parallel_loop3A_460 = vector.shape_cast %parallel_loop3A_452 : vector<16xf32> to vector<1x1x16xf32>
          tpu.vector_store %arg7[%parallel_loop3A_455, %parallel_loop3A_456, %parallel_loop3A_457], %parallel_loop3A_460 {strides = array<i32>} : memref<2x16x1024xf32, #tpu.memory_space<vmem>>, vector<1x1x16xf32>,
          %parallel_loop3A_461 = arith.mulf %parallel_loop3A_370, %get3A_250 : vector<16xf32>
          %parallel_loop3A_462 = arith.constant 1 : i32
          %parallel_loop3A_463 = arith.constant 10 : i32
          %parallel_loop3A_464 = arith.index_cast %parallel_loop3A_462 : i32 to index
          %parallel_loop3A_465 = arith.index_cast %parallel_loop3A_463 : i32 to index
          %parallel_loop3A_466 = arith.index_cast %parallel_loop3A_319 : i32 to index
          %parallel_loop3A_467 = tpu.vector_load %arg7[%parallel_loop3A_464, %parallel_loop3A_465, %parallel_loop3A_466] {strides = array<i32>} : memref<2x16x1024xf32, #tpu.memory_space<vmem>>, vector<1x1x16xf32>,
          %parallel_loop3A_468 = vector.shape_cast %parallel_loop3A_467 : vector<1x1x16xf32> to vector<16xf32>
          %parallel_loop3A_469 = vector.shape_cast %parallel_loop3A_461 : vector<16xf32> to vector<1x1x16xf32>
          tpu.vector_store %arg7[%parallel_loop3A_464, %parallel_loop3A_465, %parallel_loop3A_466], %parallel_loop3A_469 {strides = array<i32>} : memref<2x16x1024xf32, #tpu.memory_space<vmem>>, vector<1x1x16xf32>,
          %parallel_loop3A_470 = arith.mulf %parallel_loop3A_370, %get3A_259 : vector<16xf32>
          %parallel_loop3A_471 = arith.constant 1 : i32
          %parallel_loop3A_472 = arith.constant 11 : i32
          %parallel_loop3A_473 = arith.index_cast %parallel_loop3A_471 : i32 to index
          %parallel_loop3A_474 = arith.index_cast %parallel_loop3A_472 : i32 to index
          %parallel_loop3A_475 = arith.index_cast %parallel_loop3A_319 : i32 to index
          %parallel_loop3A_476 = tpu.vector_load %arg7[%parallel_loop3A_473, %parallel_loop3A_474, %parallel_loop3A_475] {strides = array<i32>} : memref<2x16x1024xf32, #tpu.memory_space<vmem>>, vector<1x1x16xf32>,
          %parallel_loop3A_477 = vector.shape_cast %parallel_loop3A_476 : vector<1x1x16xf32> to vector<16xf32>
          %parallel_loop3A_478 = vector.shape_cast %parallel_loop3A_470 : vector<16xf32> to vector<1x1x16xf32>
          tpu.vector_store %arg7[%parallel_loop3A_473, %parallel_loop3A_474, %parallel_loop3A_475], %parallel_loop3A_478 {strides = array<i32>} : memref<2x16x1024xf32, #tpu.memory_space<vmem>>, vector<1x1x16xf32>,
          %parallel_loop3A_479 = arith.mulf %parallel_loop3A_370, %get3A_268 : vector<16xf32>
          %parallel_loop3A_480 = arith.constant 1 : i32
          %parallel_loop3A_481 = arith.constant 12 : i32
          %parallel_loop3A_482 = arith.index_cast %parallel_loop3A_480 : i32 to index
          %parallel_loop3A_483 = arith.index_cast %parallel_loop3A_481 : i32 to index
          %parallel_loop3A_484 = arith.index_cast %parallel_loop3A_319 : i32 to index
          %parallel_loop3A_485 = tpu.vector_load %arg7[%parallel_loop3A_482, %parallel_loop3A_483, %parallel_loop3A_484] {strides = array<i32>} : memref<2x16x1024xf32, #tpu.memory_space<vmem>>, vector<1x1x16xf32>,
          %parallel_loop3A_486 = vector.shape_cast %parallel_loop3A_485 : vector<1x1x16xf32> to vector<16xf32>
          %parallel_loop3A_487 = vector.shape_cast %parallel_loop3A_479 : vector<16xf32> to vector<1x1x16xf32>
          tpu.vector_store %arg7[%parallel_loop3A_482, %parallel_loop3A_483, %parallel_loop3A_484], %parallel_loop3A_487 {strides = array<i32>} : memref<2x16x1024xf32, #tpu.memory_space<vmem>>, vector<1x1x16xf32>,
          %parallel_loop3A_488 = arith.mulf %parallel_loop3A_370, %get3A_277 : vector<16xf32>
          %parallel_loop3A_489 = arith.constant 1 : i32
          %parallel_loop3A_490 = arith.constant 13 : i32
          %parallel_loop3A_491 = arith.index_cast %parallel_loop3A_489 : i32 to index
          %parallel_loop3A_492 = arith.index_cast %parallel_loop3A_490 : i32 to index
          %parallel_loop3A_493 = arith.index_cast %parallel_loop3A_319 : i32 to index
          %parallel_loop3A_494 = tpu.vector_load %arg7[%parallel_loop3A_491, %parallel_loop3A_492, %parallel_loop3A_493] {strides = array<i32>} : memref<2x16x1024xf32, #tpu.memory_space<vmem>>, vector<1x1x16xf32>,
          %parallel_loop3A_495 = vector.shape_cast %parallel_loop3A_494 : vector<1x1x16xf32> to vector<16xf32>
          %parallel_loop3A_496 = vector.shape_cast %parallel_loop3A_488 : vector<16xf32> to vector<1x1x16xf32>
          tpu.vector_store %arg7[%parallel_loop3A_491, %parallel_loop3A_492, %parallel_loop3A_493], %parallel_loop3A_496 {strides = array<i32>} : memref<2x16x1024xf32, #tpu.memory_space<vmem>>, vector<1x1x16xf32>,
          %parallel_loop3A_497 = arith.mulf %parallel_loop3A_370, %get3A_286 : vector<16xf32>
          %parallel_loop3A_498 = arith.constant 1 : i32
          %parallel_loop3A_499 = arith.constant 14 : i32
          %parallel_loop3A_500 = arith.index_cast %parallel_loop3A_498 : i32 to index
          %parallel_loop3A_501 = arith.index_cast %parallel_loop3A_499 : i32 to index
          %parallel_loop3A_502 = arith.index_cast %parallel_loop3A_319 : i32 to index
          %parallel_loop3A_503 = tpu.vector_load %arg7[%parallel_loop3A_500, %parallel_loop3A_501, %parallel_loop3A_502] {strides = array<i32>} : memref<2x16x1024xf32, #tpu.memory_space<vmem>>, vector<1x1x16xf32>,
          %parallel_loop3A_504 = vector.shape_cast %parallel_loop3A_503 : vector<1x1x16xf32> to vector<16xf32>
          %parallel_loop3A_505 = vector.shape_cast %parallel_loop3A_497 : vector<16xf32> to vector<1x1x16xf32>
          tpu.vector_store %arg7[%parallel_loop3A_500, %parallel_loop3A_501, %parallel_loop3A_502], %parallel_loop3A_505 {strides = array<i32>} : memref<2x16x1024xf32, #tpu.memory_space<vmem>>, vector<1x1x16xf32>,
          %parallel_loop3A_506 = arith.mulf %parallel_loop3A_370, %get3A_295 : vector<16xf32>
          %parallel_loop3A_507 = arith.constant 1 : i32
          %parallel_loop3A_508 = arith.constant 15 : i32
          %parallel_loop3A_509 = arith.index_cast %parallel_loop3A_507 : i32 to index
          %parallel_loop3A_510 = arith.index_cast %parallel_loop3A_508 : i32 to index
          %parallel_loop3A_511 = arith.index_cast %parallel_loop3A_319 : i32 to index
          %parallel_loop3A_512 = tpu.vector_load %arg7[%parallel_loop3A_509, %parallel_loop3A_510, %parallel_loop3A_511] {strides = array<i32>} : memref<2x16x1024xf32, #tpu.memory_space<vmem>>, vector<1x1x16xf32>,
          %parallel_loop3A_513 = vector.shape_cast %parallel_loop3A_512 : vector<1x1x16xf32> to vector<16xf32>
          %parallel_loop3A_514 = vector.shape_cast %parallel_loop3A_506 : vector<16xf32> to vector<1x1x16xf32>
          tpu.vector_store %arg7[%parallel_loop3A_509, %parallel_loop3A_510, %parallel_loop3A_511], %parallel_loop3A_514 {strides = array<i32>} : memref<2x16x1024xf32, #tpu.memory_space<vmem>>, vector<1x1x16xf32>,
        } {sc.loop_unroll_factor = 4 : i64, sc.parallel_access}
        %dma_start3A = arith.constant 1 : i32
        %dma_start3A_298 = arith.constant 1 : i32
        %dma_start3A_299 = arith.constant 0 : i32
        %dma_start3A_300 = arith.constant 0 : i32
        %dma_start3A_301 = tpu.memref_slice %arg7[%dma_start3A, %dma_start3A_299, %dma_start3A_300] : memref<2x16x1024xf32, #tpu.memory_space<vmem>> -> memref<1x16x1024xf32, #tpu.memory_space<vmem>>
        %dma_start3A_302 = tpu.memref_squeeze %dma_start3A_301 : memref<1x16x1024xf32, #tpu.memory_space<vmem>> -> memref<16x1024xf32, #tpu.memory_space<vmem>>
        %dma_start3A_303 = arith.constant 0 : i32
        %dma_start3A_304 = arith.constant 0 : i32
        %dma_start3A_305 = tpu.memref_slice %arg4[%select_n3A_139, %sub3A_142, %dma_start3A_303, %dma_start3A_304] : memref<20x100x16x1024xf32, #tpu.memory_space<hbm>> -> memref<1x1x16x1024xf32, #tpu.memory_space<hbm>>
        %dma_start3A_306 = tpu.memref_squeeze %dma_start3A_305 : memref<1x1x16x1024xf32, #tpu.memory_space<hbm>> -> memref<16x1024xf32, #tpu.memory_space<hbm>>
        %dma_start3A_307 = tpu.memref_slice %arg8[%dma_start3A_298] : memref<2x!tpu.dma_semaphore, #tpu.memory_space<semaphore_mem>> -> memref<1x!tpu.dma_semaphore, #tpu.memory_space<semaphore_mem>>
        %dma_start3A_308 = tpu.memref_squeeze %dma_start3A_307 : memref<1x!tpu.dma_semaphore, #tpu.memory_space<semaphore_mem>> -> memref<!tpu.dma_semaphore, #tpu.memory_space<semaphore_mem>>
        %dma_start3A_309 = arith.constant 0 : i32
        %dma_start3A_310 = arith.constant 0 : i32
        %dma_start3A_311 = tpu.memref_slice %arg4[%select_n3A_139, %sub3A_142, %dma_start3A_309, %dma_start3A_310] : memref<20x100x16x1024xf32, #tpu.memory_space<hbm>> -> memref<1x1x16x1024xf32, #tpu.memory_space<hbm>>
        %dma_start3A_312 = tpu.memref_squeeze %dma_start3A_311 : memref<1x1x16x1024xf32, #tpu.memory_space<hbm>> -> memref<16x1024xf32, #tpu.memory_space<hbm>>
        %dma_start3A_313 = arith.constant 0 : i32
        %dma_start3A_314 = arith.constant 0 : i32
        %dma_start3A_315 = tpu.memref_slice %arg7[%dma_start3A, %dma_start3A_313, %dma_start3A_314] : memref<2x16x1024xf32, #tpu.memory_space<vmem>> -> memref<1x16x1024xf32, #tpu.memory_space<vmem>>
        %dma_start3A_316 = tpu.memref_squeeze %dma_start3A_315 : memref<1x16x1024xf32, #tpu.memory_space<vmem>> -> memref<16x1024xf32, #tpu.memory_space<vmem>>
        tpu.enqueue_dma source(%dma_start3A_316 : memref<16x1024xf32, #tpu.memory_space<vmem>>) target(%dma_start3A_312 : memref<16x1024xf32, #tpu.memory_space<hbm>>) target_semaphore(%dma_start3A_308 : memref<!tpu.dma_semaphore, #tpu.memory_space<semaphore_mem>>)
      } else {
      }
    }
    %scan3A_59 = arith.constant 32 : i32
    %dma_wait3A = arith.constant 0 : i32
    %dma_wait3A_60 = arith.constant 0 : i32
    %dma_wait3A_61 = arith.constant 0 : i32
    %dma_wait3A_62 = arith.constant 0 : i32
    %dma_wait3A_63 = arith.constant 0 : i32
    %dma_wait3A_64 = arith.constant 0 : i32
    %dma_wait3A_65 = tpu.memref_slice %arg7[%dma_wait3A, %dma_wait3A_63, %dma_wait3A_64] : memref<2x16x1024xf32, #tpu.memory_space<vmem>> -> memref<1x16x1024xf32, #tpu.memory_space<vmem>>
    %dma_wait3A_66 = tpu.memref_squeeze %dma_wait3A_65 : memref<1x16x1024xf32, #tpu.memory_space<vmem>> -> memref<16x1024xf32, #tpu.memory_space<vmem>>
    %dma_wait3A_67 = arith.constant 0 : i32
    %dma_wait3A_68 = arith.constant 0 : i32
    %dma_wait3A_69 = tpu.memref_slice %arg4[%dma_wait3A_60, %dma_wait3A_61, %dma_wait3A_67, %dma_wait3A_68] : memref<20x100x16x1024xf32, #tpu.memory_space<hbm>> -> memref<1x1x16x1024xf32, #tpu.memory_space<hbm>>
    %dma_wait3A_70 = tpu.memref_squeeze %dma_wait3A_69 : memref<1x1x16x1024xf32, #tpu.memory_space<hbm>> -> memref<16x1024xf32, #tpu.memory_space<hbm>>
    %dma_wait3A_71 = tpu.memref_slice %arg8[%dma_wait3A_62] : memref<2x!tpu.dma_semaphore, #tpu.memory_space<semaphore_mem>> -> memref<1x!tpu.dma_semaphore, #tpu.memory_space<semaphore_mem>>
    %dma_wait3A_72 = tpu.memref_squeeze %dma_wait3A_71 : memref<1x!tpu.dma_semaphore, #tpu.memory_space<semaphore_mem>> -> memref<!tpu.dma_semaphore, #tpu.memory_space<semaphore_mem>>
    %dma_wait3A_73 = arith.constant 0 : i32
    %dma_wait3A_74 = arith.constant 0 : i32
    %dma_wait3A_75 = tpu.memref_slice %arg4[%dma_wait3A_60, %dma_wait3A_61, %dma_wait3A_73, %dma_wait3A_74] : memref<20x100x16x1024xf32, #tpu.memory_space<hbm>> -> memref<1x1x16x1024xf32, #tpu.memory_space<hbm>>
    %dma_wait3A_76 = tpu.memref_squeeze %dma_wait3A_75 : memref<1x1x16x1024xf32, #tpu.memory_space<hbm>> -> memref<16x1024xf32, #tpu.memory_space<hbm>>
    %dma_wait3A_77 = arith.constant 0 : i32
    %dma_wait3A_78 = arith.constant 0 : i32
    %dma_wait3A_79 = tpu.memref_slice %arg7[%dma_wait3A, %dma_wait3A_77, %dma_wait3A_78] : memref<2x16x1024xf32, #tpu.memory_space<vmem>> -> memref<1x16x1024xf32, #tpu.memory_space<vmem>>
    %dma_wait3A_80 = tpu.memref_squeeze %dma_wait3A_79 : memref<1x16x1024xf32, #tpu.memory_space<vmem>> -> memref<16x1024xf32, #tpu.memory_space<vmem>>
    tpu.wait_dma2 semaphore(%dma_wait3A_72 : memref<!tpu.dma_semaphore, #tpu.memory_space<semaphore_mem>>) src(%dma_wait3A_80 : memref<16x1024xf32, #tpu.memory_space<vmem>>) dst(%dma_wait3A_76 : memref<16x1024xf32, #tpu.memory_space<hbm>>)
    %dma_wait3A_81 = arith.constant 1 : i32
    %dma_wait3A_82 = arith.constant 0 : i32
    %dma_wait3A_83 = arith.constant 0 : i32
    %dma_wait3A_84 = arith.constant 1 : i32
    %dma_wait3A_85 = arith.constant 0 : i32
    %dma_wait3A_86 = arith.constant 0 : i32
    %dma_wait3A_87 = tpu.memref_slice %arg7[%dma_wait3A_81, %dma_wait3A_85, %dma_wait3A_86] : memref<2x16x1024xf32, #tpu.memory_space<vmem>> -> memref<1x16x1024xf32, #tpu.memory_space<vmem>>
    %dma_wait3A_88 = tpu.memref_squeeze %dma_wait3A_87 : memref<1x16x1024xf32, #tpu.memory_space<vmem>> -> memref<16x1024xf32, #tpu.memory_space<vmem>>
    %dma_wait3A_89 = arith.constant 0 : i32
    %dma_wait3A_90 = arith.constant 0 : i32
    %dma_wait3A_91 = tpu.memref_slice %arg4[%dma_wait3A_82, %dma_wait3A_83, %dma_wait3A_89, %dma_wait3A_90] : memref<20x100x16x1024xf32, #tpu.memory_space<hbm>> -> memref<1x1x16x1024xf32, #tpu.memory_space<hbm>>
    %dma_wait3A_92 = tpu.memref_squeeze %dma_wait3A_91 : memref<1x1x16x1024xf32, #tpu.memory_space<hbm>> -> memref<16x1024xf32, #tpu.memory_space<hbm>>
    %dma_wait3A_93 = tpu.memref_slice %arg8[%dma_wait3A_84] : memref<2x!tpu.dma_semaphore, #tpu.memory_space<semaphore_mem>> -> memref<1x!tpu.dma_semaphore, #tpu.memory_space<semaphore_mem>>
    %dma_wait3A_94 = tpu.memref_squeeze %dma_wait3A_93 : memref<1x!tpu.dma_semaphore, #tpu.memory_space<semaphore_mem>> -> memref<!tpu.dma_semaphore, #tpu.memory_space<semaphore_mem>>
    %dma_wait3A_95 = arith.constant 0 : i32
    %dma_wait3A_96 = arith.constant 0 : i32
    %dma_wait3A_97 = tpu.memref_slice %arg4[%dma_wait3A_82, %dma_wait3A_83, %dma_wait3A_95, %dma_wait3A_96] : memref<20x100x16x1024xf32, #tpu.memory_space<hbm>> -> memref<1x1x16x1024xf32, #tpu.memory_space<hbm>>
    %dma_wait3A_98 = tpu.memref_squeeze %dma_wait3A_97 : memref<1x1x16x1024xf32, #tpu.memory_space<hbm>> -> memref<16x1024xf32, #tpu.memory_space<hbm>>
    %dma_wait3A_99 = arith.constant 0 : i32
    %dma_wait3A_100 = arith.constant 0 : i32
    %dma_wait3A_101 = tpu.memref_slice %arg7[%dma_wait3A_81, %dma_wait3A_99, %dma_wait3A_100] : memref<2x16x1024xf32, #tpu.memory_space<vmem>> -> memref<1x16x1024xf32, #tpu.memory_space<vmem>>
    %dma_wait3A_102 = tpu.memref_squeeze %dma_wait3A_101 : memref<1x16x1024xf32, #tpu.memory_space<vmem>> -> memref<16x1024xf32, #tpu.memory_space<vmem>>
    tpu.wait_dma2 semaphore(%dma_wait3A_94 : memref<!tpu.dma_semaphore, #tpu.memory_space<semaphore_mem>>) src(%dma_wait3A_102 : memref<16x1024xf32, #tpu.memory_space<vmem>>) dst(%dma_wait3A_98 : memref<16x1024xf32, #tpu.memory_space<hbm>>)
    return
  }
}

</mosaic_0001>

<sc_bundles>
// kernel: kernel.3.cloned.1.call-start
scs
__scs_entry_jumppad:
0x0: {  	(pc) =	sbr.rel $0x88, $3  }
0x1: {  	(tag) =	ssettag $0x0;
	lr =	simm.s32 $0x1  }
0x2: {  	[smem:$0x3F9F] =	sst lr;
	_ =	strace $0xD0000000  }
0x3: {  	_ = 	snop  }
0x4: {  	_ = 	snop  }
0x5: {  	_ = 	snop  }
0x6: {  	_ = 	snop  }
0x7: {  	_ = 	snop  }
__scs_overlays_trampoline_lowered:
0x8: {  	[smem:$0x3FAE] =	sst s0  }
0x9: {  	[smem:$0x3FAF] =	sst s1  }
0xa: {  	[smem:$0x3FB0] =	sst s2  }
0xb: {  	[smem:$0x3FB1] =	sst s3  }
0xc: {  	[smem:$0x3FB2] =	sst s4  }
0xd: {  	[smem:$0x3FB3] =	sst s5  }
0xe: {  	[smem:$0x3FB4] =	sst s6  }
0xf: {  	[smem:$0x3FB5] =	sst s7  }
0x10: {  	[smem:$0x3FB6] =	sst s8  }
0x11: {  	[smem:$0x3FB7] =	sst s9;
	s0 =	simm.s32 @!p0 $0x0  }
0x12: {  	s1 =	sld [smem:$0x3F9D];
	s0 =	simm.s32 @p0 $0x1  }
0x13: {  	[smem:$0x3FB8] =	sst s0;
	s0 =	simm.s32 @!p1 $0x0  }
0x14: {  	s2 =	sld [smem:$0x3F9C];
	s0 =	simm.s32 @p1 $0x1  }
0x15: {  	[smem:$0x3FB9] =	sst s0;
	s0 =	simm.s32 @!p2 $0x0  }
0x16: {  	s3 =	sld [smem:$0x3FDB];
	s0 =	simm.s32 @p2 $0x1  }
0x17: {  	s4 =	simm.s32 $0x1BF5;
	[smem:$0x3FBB] =	sst s0  }
0x18: {  	s0 =	sld [smem:$0x3F9E];
	_ =	swait.ge [sflag:s4], $0x0  }
0x19: {  	s7 =	sld [smem:$0x3F9F]  }
0x1a: {  	s8 =	sadd.s32 $0xFFFFE003, lr  }
0x1b: {  	s9 =	sadd.s32 $0xFFFFFEF7, lr;
	s5 =	simm.s32 $0xFFFFFFFF;
	p2 =	slt.u32 s8, $0xFFFFF086  }
0x1c: {  	p1 =	slt.u32 s9, $0xF7A;
	s5 =	simm.s32 @!p2 $0x0  }
0x1d: {  	s5 =	simm.s32 @p1 $0x1;
	p0 =	seq.s32 s7, s2  }
0x1e: {  	s7 =	smul.u32 @!p0 $0xF7A, s2;
	p2 =	seq.s32 @!p0 s5, $0x0  }
0x1f: {  	s9 =	smul.u32 $0xF7A, s1;
	s8 =	simm.s32 @!p0 $0x1BF5;
	p2 =	por !p2, p0  }
0x20: {  	[sflag:s8] =	ssyncset.s32 @!p0 $0xFFFFF086;
	s6 =	sadd.s32 @!p0 s3, s7;
	s7 =	simm.s32 @!p0 $0x108  }
0x21: {  	s3 =	sadd.s32 s3, s9;
	s6 =	sadd.s32 @!p0 $0x88, s6;
	s7 =	simm.s32 @p2 $0x1082  }
0x22: {  	[simem:s7], [sflag:s8] =	dma.local @!p0 [hbm:s6], $0xF7A  }
0x23: {  	s9 =	sor.u32 $0xD0000000, s2;
	s6 =	simm.s32 $0x108;
	_ =	swait.ge @!p0 [sflag:s8], $0x0  }
0x24: {  	s3 =	sadd.s32 $0x88, s3;
	s6 =	simm.s32 @!p1 $0x1082;
	[sflag:s4] =	ssyncset.s32 $0xFFFFF086  }
0x25: {  	[simem:s6], [sflag:s4] =	dma.local [hbm:s3], $0xF7A  }
0x26: {  	[smem:$0x3F9F] =	sst s1;
	(tag) =	ssettag s2;
	_ =	strace s9  }
0x27: {  	s1 =	sld [smem:$0x3FAF]  }
0x28: {  	s2 =	sld [smem:$0x3FB0]  }
0x29: {  	s4 =	sld [smem:$0x3FB2]  }
0x2a: {  	p0 =	seq.s32 s5, $0x0;
	s5 =	sld [smem:$0x3FB3]  }
0x2b: {  	s6 =	sld [smem:$0x3FB4]  }
0x2c: {  	s7 =	sld [smem:$0x3FB5]  }
0x2d: {  	s3 =	simm.s32 $0x108;
	s8 =	sld [smem:$0x3FB6]  }
0x2e: {  	s3 =	simm.s32 @!p0 $0x1082;
	s9 =	sld [smem:$0x3FB7]  }
0x2f: {  	lr =	sadd.s32 s0, s3;
	s0 =	sld [smem:$0x3FAE]  }
0x30: {  	s3 =	sld [smem:$0x3FB1]  }
0x31: {  	[smem:$0x3FBA] =	sst s10  }
0x32: {  	s10 =	sld [smem:$0x3FB8];
	_ =	sdelay $0x3  }
0x33: {  	p0 =	seq.s32 s10, $0x1;
	s10 =	sld [smem:$0x3FBA];
	_ =	sdelay $0x3  }
0x34: {  	[smem:$0x3FBA] =	sst s10  }
0x35: {  	s10 =	sld [smem:$0x3FB9];
	_ =	sdelay $0x3  }
0x36: {  	p1 =	seq.s32 s10, $0x1;
	s10 =	sld [smem:$0x3FBA];
	_ =	sdelay $0x3  }
0x37: {  	[smem:$0x3FBA] =	sst s10  }
0x38: {  	s10 =	sld [smem:$0x3FBB]  }
0x39: {  	_ = 	snop;
	(pc) =	sbr.ind lr, $3  }
0x3a: {  	_ = 	snop  }
0x3b: {  	_ = 	snop  }
0x3c: {  	p2 =	seq.s32 s10, $0x1;
	s10 =	sld [smem:$0x3FBA]  }
0x3d: {  	_ =	shalt  }
0x3e: {  	_ =	shalt  }
0x3f: {  	_ =	shalt  }
0x40: {  	_ =	shalt  }
0x41: {  	_ =	shalt  }
0x42: {  	_ =	shalt  }
0x43: {  	_ =	shalt  }
0x44: {  	_ =	shalt  }
0x45: {  	_ =	shalt  }
0x46: {  	_ =	shalt  }
0x47: {  	_ =	shalt  }
0x48: {  	_ =	shalt  }
0x49: {  	_ =	shalt  }
0x4a: {  	_ =	shalt  }
0x4b: {  	_ =	shalt  }
0x4c: {  	_ =	shalt  }
0x4d: {  	_ =	shalt  }
0x4e: {  	_ =	shalt  }
0x4f: {  	_ =	shalt  }
0x50: {  	_ =	shalt  }
0x51: {  	_ =	shalt  }
0x52: {  	_ =	shalt  }
0x53: {  	_ =	shalt  }
0x54: {  	_ =	shalt  }
0x55: {  	_ =	shalt  }
0x56: {  	_ =	shalt  }
0x57: {  	_ =	shalt  }
0x58: {  	_ =	shalt  }
0x59: {  	_ =	shalt  }
0x5a: {  	_ =	shalt  }
0x5b: {  	_ =	shalt  }
0x5c: {  	_ =	shalt  }
0x5d: {  	_ =	shalt  }
0x5e: {  	_ =	shalt  }
0x5f: {  	_ =	shalt  }
0x60: {  	_ =	shalt  }
0x61: {  	_ =	shalt  }
0x62: {  	_ =	shalt  }
0x63: {  	_ =	shalt  }
0x64: {  	_ =	shalt  }
0x65: {  	_ =	shalt  }
0x66: {  	_ =	shalt  }
0x67: {  	_ =	shalt  }
0x68: {  	_ =	shalt  }
0x69: {  	_ =	shalt  }
0x6a: {  	_ =	shalt  }
0x6b: {  	_ =	shalt  }
0x6c: {  	_ =	shalt  }
0x6d: {  	_ =	shalt  }
0x6e: {  	_ =	shalt  }
0x6f: {  	_ =	shalt  }
0x70: {  	_ =	shalt  }
0x71: {  	_ =	shalt  }
0x72: {  	_ =	shalt  }
0x73: {  	_ =	shalt  }
0x74: {  	_ =	shalt  }
0x75: {  	_ =	shalt  }
0x76: {  	_ =	shalt  }
0x77: {  	_ =	shalt  }
0x78: {  	_ =	shalt  }
0x79: {  	_ =	shalt  }
0x7a: {  	_ =	shalt  }
0x7b: {  	_ =	shalt  }
0x7c: {  	_ =	shalt  }
0x7d: {  	_ =	shalt  }
0x7e: {  	_ =	shalt  }
0x7f: {  	_ =	shalt  }
0x80: {  	_ =	shalt  }
0x81: {  	_ =	shalt  }
0x82: {  	_ =	shalt  }
0x83: {  	_ =	shalt  }
0x84: {  	_ =	shalt  }
0x85: {  	_ =	shalt  }
0x86: {  	_ =	shalt  }
0x87: {  	_ =	shalt  }
.Lfunc_end0:
.L_simem_size_0:
called_computation_lowered:
.L_overlay_start_0:
0x88: {  	s2 =	sld [smem:$0x3FD9]  }
0x89: {  	s3 =	sld [smem:$0x3FFE];
	_ =	sdelay $0x1  }
0x8a: {  	s1 =	srdreg.scid  }
0x8b: {  	s0 =	sand.u32 $0x1, s1  }
0x8c: {  	s17 =	sshll.u32 s0, $0xA;
	s2 =	sadd.s32 s3, s2  }
0x8d: {  	s2 =	sadd.s32 s2, s17  }
0x8e: {  	[smem:$0x3FC6] =	sst s2  }
0x8f: {  	_ = 	snop  }
0x90: {  	s2 =	sld [smem:$0x3FC9]  }
0x91: {  	s18 =	sld [smem:$0x3FD0];
	(tm) =	ssettm $0x1  }
0x92: {  	s4 =	sld [smem:$0x3FFB];
	_ =	sdelay $0x3  }
0x93: {  	_ =	strace s4  }
0x94: {  	s4 =	sld [smem:$0x3FFC];
	_ =	sdelay $0x3  }
0x95: {  	_ =	strace s4  }
0x96: {  	s4 =	sld [smem:$0x3FFD];
	_ =	sdelay $0x3  }
0x97: {  	_ =	strace s4  }
0x98: {  	_ =	strace $0x8FFFFFFF  }
0x99: {  	s19 =	sld [smem:$0x3FDB];
	_ =	sdelay $0x1  }
0x9a: {  	s5 =	simm.s32 $_scs_section_size  }
0x9b: {  	s6 =	simm.s32 $_size__tile_overlayer_lowered;
	s7 =	simm.s32 $_tile_overlayer_lowered  }
0x9c: {  	s22 =	simm.s32 $0x1BFF;
	s21 =	sshll.u32 s7, $0x1;
	s4 =	sadd.s32 s5, s19  }
0x9d: {  	s8 =	simm.s32 $0x0;
	s20 =	sshll.u32 s6, $0x1;
	s6 =	sadd.s32 s21, s4  }
0x9e: {  	[timem:s8], [sflag:s22] =	dma.local [hbm:s6], s20  }
0x9f: {  	_ =	swait.ge [sflag:s22], s20  }
0xa0: {  	s5 =	ssub.s32 $0x0, s20;
	[sflag:s22] =	ssyncset.done $0x0  }
0xa1: {  	[sflag:s22] =	ssyncadd.s32 s5;
	_ =	sdelay $0x1  }
0xa2: {  	s23 =	simm.s32 $0x1B8B  }
0xa3: {  	_ =	swait.ge [sflag:s23], $0x1  }
0xa4: {  	[sflag:s23] =	ssyncset.done $0x0  }
0xa5: {  	s25 =	simm.s32 $0x1B8E;
	s24 =	sld [smem:$0x3FFE];
	[sflag:s23] =	ssyncadd.s32 $0xFFFFFFFF  }
0xa6: {  	s26 =	simm.s32 $execute0_lowered;
	[smem:$0x3FD2] =	sst s25  }
0xa7: {  	s6 =	sshll.u32 s26, $0x1;
	_ =	strace $0x80000046;
	[dreg:$0x1] =	wrdreg $0xFFFFFFFF  }
0xa8: {  	s28 =	simm.s32 $_size_execute0_lowered;
	s4 =	sadd.s32 s4, s6;
	[dreg:$0x0] =	wrdreg $0x0  }
0xa9: {  	s6 =	sshll.u32 s28, $0x1;
	[dreg:$0x2] =	wrdreg s4  }
0xaa: {  	[dreg:$0x3] =	wrdreg s6  }
0xab: {  	[dreg:$0x4] =	wrdreg $0xC0  }
0xac: {  	_ =	task [dreg:s8], $0x5FFFF  }
0xad: {  	[dreg:$0x1] =	wrdreg $0xFFFFFFFF  }
0xae: {  	[dreg:$0x0] =	wrdreg $0x60  }
0xaf: {  	[dreg:$0x2] =	wrdreg s2  }
0xb0: {  	[dreg:$0x3] =	wrdreg s24  }
0xb1: {  	[dreg:$0x4] =	wrdreg s18  }
0xb2: {  	[dreg:$0x5] =	wrdreg $0x9  }
0xb3: {  	_ =	task.clear_ibuf [dreg:s8], $0x6FFFF;
	_ =	strace $0x90000046  }
0xb4: {  	s29 =	simm.s32 $0x9;
	_ =	strace $0x80000048  }
0xb5: {  	_ =	swait.ge [sflag:s29], $0x1  }
0xb6: {  	[sflag:s29] =	ssyncadd.s32 $0xFFFFFFFF  }
0xb7: {  	_ =	strace $0x90000048  }
0xb8: {  	_ =	sfence  }
0xb9: {  	s30 =	sld [smem:$0x0];
	_ =	sdelay $0x2  }
0xba: {  	s31 =	sshll.u32 s1, $0xD;
	s1 =	sshrl.u32 s1, $0x2  }
0xbb: {  	s3 =	sand.u32 $0x4000, s31;
	s1 =	sadd.s32 s1, s30  }
0xbc: {  	s0 =	sor.u32 s3, s0;
	s1 =	sshll.u32 s1, $0x11  }
0xbd: {  	s0 =	sor.u32 s1, s0  }
0xbe: {  	s0 =	sadd.s32 $0x8F2B, s0  }
0xbf: {  	[sflag:s0] =	ssyncadd.remote.s32 $0x1  }
0xc0: {  	_ =	sfence.sel $0xFFFF  }
0xc1: {  	[dreg:$0x0] =	wrdreg $0xFFFFFFFF;
	(pc) =	sbr.abs _section_cstart, $3  }
0xc2: {  	[dreg:$0x1] =	wrdreg $0xFFFFFFFF  }
0xc3: {  	_ =	task.clear_ibuf [dreg:s8], $0x2FFFF;
	_ =	strace $0x9FFFFFFF  }
0xc4: {  	(tm) =	ssettm $0x7FFFFFFF  }
0xc5: {  	_ =	shalt  }
tec
execute0_lowered:
.L_overlay_start_1:
0x0: {  	(tag) =	ssettag $0x1  }
0x1: {  	s0 =	srdreg.scid;
	s1 =	stileid.u32  }
0x2: {  	s0 =	sand.u32 $0x1, s0;
	s1 =	sshll.u32 s1, $0x1  }
0x3: {  	s1 =	sor.u32 s0, s1  }
0x4: {  	s2 =	sxor.u32 $0x1F, s1  }
0x5: {  	s3 =	sshrl.u32 s2, $0x4  }
0x6: {  	s4 =	sor.u32 $0x3E, s3  }
0x7: {  	s1 =	smul.u32 s1, s4  }
0x8: {  	s2 =	sand.u32 $0x10, s2  }
0x9: {  	s1 =	ssub.s32 s1, s2  }
0xa: {  	s6 =	sadd.s32 $0x10, s1  }
0xb: {  	s7 =	rddreg [dreg:$0x0];
	s0 =	ssub.s32 $0x2, s0;
	s25 =	smul.u32 $0x5C29, s6  }
0xc: {  	s26 =	rddreg [dreg:$0x1];
	s8 =	simm.s32 $0x0;
	s30 =	sshrl.u32 s0, $0x1  }
0xd: {  	[smem:$0x7FF] =	sst s8;
	s0 =	ssub.s32 s0, s30;
	s5 =	sand.u32 $0xFFFC, s25  }
0xe: {  	s0 =	smax.u32 s0, $0x1;
	s2 =	sshll.u32 s25, $0xE;
	s5 =	sshrl.u32 s5, $0x2  }
0xf: {  	s4 =	sadd.s32 $0x400, s26;
	p0 =	slt.s32 s1, $0xFFFFFFF1;
	s2 =	sor.u32 s2, s5  }
0x10: {  	s3 =	sadd.s32 s3, s1;
	s28 =	sand.u32 $0xFFFC, s6;
	s2 =	sand.u32 $0xFFFF, s2  }
0x11: {  	s1 =	sadd.s32 $0x12, s1;
	s5 =	sshrl.u32 s28, $0x2;
	p1 =	sgt.u32 s2, $0x28F  }
0x12: {  	[smem:$0x7F7] =	sst s6;
	s29 =	smul.u32 $0x147B, s5;
	p0 =	por !p0, !p1  }
0x13: {  	_ =	strace $0x80000047;
	s5 =	simm.s32 $0x1;
	p0 =	por !p0, !p0  }
0x14: {  	[smem:$0x7F8] =	sst s4;
	s2 =	sshrl.u32 s29, $0x11;
	s5 =	simm.s32 @!p0 $0x0  }
.Ltmp0:
0x15: {  	[smem:$0x7FA] =	sst s1;
	s2 =	ssub.s32 s2, s5;
	(pc) =	sbr.rel .LBB2_1-.Ltmp0, $4  }
0x16: {  	s31 =	simm.s32 $0x0;
	[smem:$0x7FB] =	sst s0;
	s2 =	sshll.u32 s2, $0x9  }
0x17: {  	s3 =	sadd.s32 $0x4E, s3;
	[smem:$0x7FC] =	sst s31;
	s2 =	sand.u32 $0x1FFFFE00, s2  }
0x18: {  	[smem:$0x7FD] =	sst s3;
	s2 =	sadd.s32 s7, s2  }
0x19: {  	[smem:$0x7F9] =	sst s2  }
.LBB2_11:
0x1a: {  	s0 =	simm.s32 $0x1  }
0x1b: {  	_ =	swait.ge [sflag:s0], $0x4000  }
0x1c: {  	[sflag:s0] =	ssyncset.done $0x0  }
0x1d: {  	s1 =	simm.s32 $0x2;
	[sflag:s0] =	ssyncadd.s32 $0xFFFFC000  }
0x1e: {  	_ =	swait.ge [sflag:s1], $0x4000  }
0x1f: {  	s2 =	sld [smem:$0x7FC]  }
0x20: {  	s31 =	sld [smem:$0x7FB];
	_ =	sdelay $0x1  }
0x21: {  	s2 =	sadd.s32 $0x1, s2  }
0x22: {  	p0 =	sne.s32 s2, s31  }
.Ltmp1:
0x23: {  	_ = 	snop;
	(pc) =	sbr.rel @!p0 .LBB2_12-.Ltmp1, $3  }
0x24: {  	_ =	sdelay $0x1  }
0x25: {  	[sflag:s1] =	ssyncset.done $0x0  }
0x26: {  	[sflag:s1] =	ssyncadd.s32 $0xFFFFC000;
	[smem:$0x7FC] =	sst s2  }
.LBB2_1:
0x27: {  	s1 =	sld [smem:$0x7F8];
	_ =	sdelay $0x1  }
0x28: {  	s0 =	simm.s32 $0x0;
	s2 =	simm.s32 $0x1000;
	s30 =	simm.s32 $0x3  }
0x29: {  	[tilespmem:s2], [sflag:$0x3] =	stream.linear.gather [hbm4b:s1+s0], $0x6500, $0x38;
	[tilespmem:$0xF500] =	vst v63  }
0x2a: {  	_ =	swait.ge [sflag:s30], $0x6500  }
0x2b: {  	s31 =	sld [smem:$0x7F9]  }
0x2c: {  	[sflag:s30] =	ssyncset.done $0x0  }
.Ltmp2:
0x2d: {  	[sflag:s30] =	ssyncadd.s32 $0xFFFF9B00;
	(pc) =	sbr.rel .LBB2_2-.Ltmp2, $4  }
0x2e: {  	[tilespmem:s0], [sflag:$0x3] =	stream.linear.gather [hbm4b:s31+s0], $0x1000, $0x38;
	[tilespmem:$0xF500] =	vst v63  }
0x2f: {  	_ =	swait.ge [sflag:s30], $0x1000  }
0x30: {  	[sflag:s30] =	ssyncset.done $0x0  }
0x31: {  	s2 =	simm.s32 $0x0;
	[sflag:s30] =	ssyncadd.s32 $0xFFFFF000  }
.LBB2_10:
0x32: {  	s2 =	sadd.s32 $0x1, s2  }
0x33: {  	p0 =	sne.s32 s2, $0x20  }
.Ltmp3:
0x34: {  	_ = 	snop;
	(pc) =	sbr.rel @!p0 .LBB2_11-.Ltmp3, $1  }
0x35: {  	_ =	sdelay $0x3  }
.LBB2_2:
0x36: {  	s1 =	sld [smem:$0x7F7];
	_ =	sdelay $0x1  }
0x37: {  	s0 =	sshll.u32 s2, $0x1  }
0x38: {  	s4 =	sadd.s32 s1, s0  }
0x39: {  	p0 =	sge.u32 s4, s3  }
.Ltmp4:
0x3a: {  	_ = 	snop;
	(pc) =	sbr.rel @p0 .LBB2_6-.Ltmp4, $2  }
0x3b: {  	_ =	sdelay $0x2  }
0x3c: {  	[smem:$0x7F6] =	sst s2  }
0x3d: {  	s0 =	smulhi.u32 $0x51EB851F, s4;
	_ =	sdelay $0x1  }
0x3e: {  	s1 =	sshrl.u32 s0, $0x5  }
0x3f: {  	s0 =	smul.u32 $0xFFFFFF9C, s1;
	_ =	sdelay $0x1  }
0x40: {  	p0 =	seq.s32 s2, $0x0;
	s6 =	sadd.s32 s4, s0  }
0x41: {  	p1 =	sne.s32 @!p0 s6, $0x0  }
0x42: {  	p0 =	por p1, p0  }
0x43: {  	[smem:$0x7F3] =	sst s1;
	s0 =	sshll.u32 @!p0 s1, $0x9  }
0x44: {  	s1 =	rddreg [dreg:$0x0];
	s0 =	sand.u32 @!p0 $0x1FFFFE00, s0  }
0x45: {  	s0 =	sadd.s32 @!p0 s1, s0;
	s1 =	simm.s32 @!p0 $0x0  }
0x46: {  	[tilespmem:s1], [sflag:$0x3] =	stream.linear.gather @!p0 [hbm4b:s0+s1], $0x1000, $0x38;
	[tilespmem:$0xF500] =	vst v63  }
0x47: {  	s0 =	simm.s32 @!p0 $0x3  }
0x48: {  	_ =	swait.ge @!p0 [sflag:s0], $0x1000  }
0x49: {  	s17 =	sld [smem:$0x7FA];
	_ =	sdelay $0x2  }
0x4a: {  	s25 =	simm.s32 $0x0;
	[sflag:s0] =	ssyncset.done @!p0 $0x0;
	p1 =	slt.u32 s4, s17  }
0x4b: {  	[smem:$0x7F4] =	sst s4;
	[sflag:s0] =	ssyncadd.s32 @!p0 $0xFFFFF000;
	s0 =	simm.s32 @!p1 $0x1  }
0x4c: {  	s29 =	simm.s32 $0x0;
	s20 =	sand.u32 $0x40, s25;
	_ =	swait.ge @!p1 [sflag:s0], $0x4000  }
0x4d: {  	s5 =	sand.u32 $0x3FFFFE00, s29;
	s3 =	sor.u32 $0x30, s20;
	[sflag:s0] =	ssyncset.done @!p1 $0x0  }
0x4e: {  	[sflag:s0] =	ssyncadd.s32 @!p1 $0xFFFFC000;
	s0 =	sor.u32 s3, s5  }
0x4f: {  	v5 =	vld [tilespmem:s0+$0x180]  }
0x50: {  	v7 =	vld [tilespmem:s0+$0x100]  }
0x51: {  	v8 =	vld [tilespmem:s0+$0x0]  }
0x52: {  	s30 =	sor.u32 s20, s5;
	v9 =	vld [tilespmem:s0+$0x80];
	[smem:$0x7F5] =	sst s6  }
0x53: {  	s2 =	sor.u32 $0x10, s20;
	v10 =	vld [tilespmem:s30+$0x0]  }
0x54: {  	s7 =	sor.u32 s2, s5;
	v11 =	vld [tilespmem:s30+$0x80]  }
0x55: {  	v14 =	vld [tilespmem:s7+$0x0]  }
0x56: {  	v17 =	vld [tilespmem:s30+$0x100]  }
0x57: {  	v6 =	vmov s6;
	v27 =	vld [tilespmem:s30+$0x180]  }
0x58: {  	s0 =	sor.u32 $0x20, s20;
	v7 =	vsub.s32 v7, v6;
	v5 =	vsub.s32 v5, v6  }
0x59: {  	s5 =	sor.u32 s0, s5;
	v8 =	vsub.s32 v8, v6;
	v9 =	vsub.s32 v9, v6;
	v12 =	vsub.s32 $0x0, v5  }
0x5a: {  	v31 =	vld [tilespmem:s5+$0x180];
	v13 =	vsub.s32 $0x0, v8;
	v15 =	vsub.s32 $0x0, v9;
	v16 =	vsub.s32 $0x0, v7  }
0x5b: {  	s18 =	sshll.u32 s6, $0xA;
	v10 =	vsub.s32 v10, v6;
	v11 =	vsub.s32 v11, v6;
	v14 =	vsub.s32 v14, v6  }
0x5c: {  	s19 =	sshra.s32 s18, $0x2;
	v17 =	vsub.s32 v17, v6;
	v27 =	vsub.s32 v27, v6;
	v8 =	vmin.u32 v8, v13  }
0x5d: {  	v0 =	vld [tilespmem:s19+$0x1000];
	v9 =	vmin.u32 v9, v15;
	v12 =	vmin.u32 v5, v12;
	v5 =	vmin.u32 v7, v16  }
0x5e: {  	v1 =	vld [tilespmem:s19+$0x1010];
	v19 =	vsub.s32 $0x0, v10;
	v21 =	vsub.s32 $0x0, v11;
	v22 =	vsub.s32 $0x0, v14  }
0x5f: {  	v4 =	vld [tilespmem:s19+$0x1020];
	v31 =	vsub.s32 v31, v6;
	v40 =	vsub.s32 $0x0, v27;
	vm0 =	vlt.s32 v8, $0x1  }
0x60: {  	v3 =	vld [tilespmem:s19+$0x1030];
	vm1 =	vlt.s32 v9, $0x1;
	vm2 =	vlt.s32 v5, $0x1;
	vm15 =	vlt.s32 v12, $0x1  }
0x61: {  	v2 =	vld [tilespmem:s19+$0x1040];
	v19 =	vmin.u32 v10, v19;
	v21 =	vmin.u32 v11, v21;
	v22 =	vmin.u32 v14, v22  }
0x62: {  	v13 =	vld [tilespmem:s7+$0x80];
	v14 =	vsub.s32 $0x0, v17;
	v27 =	vmin.u32 v27, v40;
	v59 =	vsub.s32 $0x0, v31  }
0x63: {  	v7 =	vld [tilespmem:s5+$0x0];
	v8 =	vnsel vm0, $0x1, v8;
	v9 =	vnsel vm1, $0x1, v9;
	v16 =	vnsel vm2, $0x1, v5  }
0x64: {  	v15 =	vld [tilespmem:s5+$0x80];
	vm4 =	vlt.s32 v19, $0x1;
	vm5 =	vlt.s32 v21, $0x1;
	vm6 =	vlt.s32 v22, $0x1  }
0x65: {  	v10 =	vld [tilespmem:s19+$0x1090];
	v17 =	vmin.u32 v17, v14;
	v31 =	vmin.u32 v31, v59;
	vm13 =	vlt.s32 v27, $0x1  }
0x66: {  	v11 =	vld [tilespmem:s19+$0x10A0];
	v8 =	vadd.s32 v9, v8;
	v9 =	vnsel vm15, $0x1, v12;
	v19 =	vnsel vm4, $0x1, v19  }
0x67: {  	v5 =	vld [tilespmem:s19+$0x1050];
	v21 =	vnsel vm5, $0x1, v21;
	v22 =	vnsel vm6, $0x1, v22;
	vm10 =	vlt.s32 v17, $0x1  }
0x68: {  	v12 =	vld [tilespmem:s7+$0x100];
	vm15 =	vlt.s32 v31, $0x1;
	v8 =	vadd.s32 v16, v8;
	v19 =	vadd.s32 v21, v19  }
0x69: {  	v14 =	vld [tilespmem:s19+$0x10D0];
	v17 =	vnsel vm10, $0x1, v17;
	v8 =	vadd.s32 v9, v8;
	v13 =	vsub.s32 v13, v6  }
0x6a: {  	v16 =	vld [tilespmem:s5+$0x100];
	v18 =	vsub.s32 v7, v6;
	v15 =	vsub.s32 v15, v6;
	v17 =	vadd.s32 v17, v19  }
0x6b: {  	v7 =	vld [tilespmem:s19+$0x1060];
	v8 =	vsub.s32 $0x4, v8;
	v23 =	vsub.s32 $0x0, v13;
	v24 =	vsub.s32 $0x0, v18  }
0x6c: {  	v9 =	vld [tilespmem:s19+$0x1080];
	v25 =	vsub.s32 $0x0, v15;
	v20 =	vcvt.s32.f32 v8;
	v23 =	vmin.u32 v13, v23  }
0x6d: {  	v18 =	vmin.u32 v18, v24;
	v25 =	vmin.u32 v15, v25;
	v28 =	vsub.s32 v12, v6;
	v12 =	vld [tilespmem:s7+$0x180]  }
0x6e: {  	s6 =	simm.s32 $0x0;
	v8 =	vld [tilespmem:s19+$0x1070];
	vm7 =	vlt.s32 v23, $0x1;
	vm8 =	vlt.s32 v18, $0x1;
	vm9 =	vlt.s32 v25, $0x1  }
0x6f: {  	v13 =	vld [tilespmem:s19+$0x10C0];
	s7 =	sand.u32 $0x3FFFFC00, s6;
	v26 =	vmul.f32 v20, v0;
	v16 =	vsub.s32 v16, v6;
	v15 =	vsub.s32 $0x0, v28  }
0x70: {  	v29 =	vmul.f32 v20, v1;
	s5 =	sadd.s32 $0x7500, s7;
	v34 =	vsub.s32 $0x0, v16;
	v28 =	vmin.u32 v28, v15;
	v15 =	vld [tilespmem:s19+$0x10E0]  }
0x71: {  	v30 =	vmul.f32 v20, v4;
	v32 =	vmul.f32 v20, v3;
	s8 =	sor.u32 s3, s5;
	v34 =	vmin.u32 v16, v34;
	v16 =	vld [tilespmem:s19+$0x10F0]  }
0x72: {  	v24 =	vmul.f32 v20, v2;
	v33 =	vmul.f32 v20, v5;
	v36 =	vsub.s32 v12, v6;
	v12 =	vld [tilespmem:s19+$0x10B0];
	[tilespmem:s8+$0x0] =	vst v26  }
0x73: {  	v39 =	vmul.f32 v20, v10;
	v23 =	vnsel vm7, $0x1, v23;
	v18 =	vnsel vm8, $0x1, v18;
	[tilespmem:s8+$0x80] =	vst v29  }
0x74: {  	v21 =	vnsel vm9, $0x1, v25;
	v35 =	vmul.f32 v20, v7;
	v38 =	vmul.f32 v20, v9;
	[tilespmem:s8+$0x100] =	vst v30  }
0x75: {  	v22 =	vadd.s32 v23, v22;
	v18 =	vadd.s32 v21, v18;
	vm11 =	vlt.s32 v28, $0x1;
	[tilespmem:s8+$0x180] =	vst v32  }
0x76: {  	v37 =	vmul.f32 v20, v8;
	vm12 =	vlt.s32 v34, $0x1;
	v21 =	vnsel vm11, $0x1, v28;
	[tilespmem:s8+$0x200] =	vst v24  }
0x77: {  	v26 =	vmul.f32 v20, v11;
	[tilespmem:s8+$0x280] =	vst v33;
	v19 =	vadd.s32 v21, v22;
	v21 =	vnsel vm13, $0x1, v27  }
0x78: {  	s9 =	sadd.s32 $0x9500, s7;
	[tilespmem:s8+$0x300] =	vst v35;
	v23 =	vnsel vm12, $0x1, v34;
	v58 =	vsub.s32 $0x0, v36;
	v17 =	vadd.s32 v21, v17  }
0x79: {  	s13 =	sadd.s32 $0x9580, s7;
	s23 =	sor.u32 s3, s9;
	[tilespmem:s8+$0x380] =	vst v37;
	v18 =	vadd.s32 v23, v18;
	v23 =	vnsel vm15, $0x1, v31;
	v17 =	vsub.s32 $0x4, v17  }
0x7a: {  	s14 =	sadd.s32 $0x9600, s7;
	s24 =	sor.u32 s3, s13;
	v29 =	vmin.u32 v36, v58;
	[tilespmem:s23+$0x0] =	vst v38;
	v18 =	vadd.s32 v23, v18;
	v17 =	vcvt.s32.f32 v17  }
0x7b: {  	s15 =	sadd.s32 $0x9680, s7;
	s26 =	sor.u32 s3, s14;
	vm14 =	vlt.s32 v29, $0x1;
	[tilespmem:s24+$0x0] =	vst v39;
	v18 =	vsub.s32 $0x4, v18;
	v30 =	vmul.f32 v20, v12  }
0x7c: {  	s28 =	sor.u32 s3, s15;
	[tilespmem:s26+$0x0] =	vst v26;
	v22 =	vnsel vm14, $0x1, v29;
	v24 =	vcvt.s32.f32 v18;
	v18 =	vmul.f32 v17, v0  }
0x7d: {  	s8 =	sor.u32 s20, s5;
	v19 =	vadd.s32 v22, v19;
	v22 =	vmul.f32 v17, v3;
	[tilespmem:s28+$0x0] =	vst v30  }
0x7e: {  	v23 =	vmul.f32 v17, v5;
	[tilespmem:s8+$0x0] =	vst v18  }
0x7f: {  	v25 =	vmul.f32 v17, v8;
	[tilespmem:s8+$0x180] =	vst v22  }
0x80: {  	s22 =	sadd.s32 $0x9700, s7;
	v60 =	vmul.f32 v20, v13;
	[tilespmem:s8+$0x280] =	vst v23  }
0x81: {  	v61 =	vmul.f32 v20, v14;
	s29 =	sor.u32 s3, s22;
	s19 =	sadd.s32 $0x9780, s7;
	v19 =	vsub.s32 $0x4, v19;
	[tilespmem:s8+$0x380] =	vst v25  }
0x82: {  	s30 =	sor.u32 s3, s19;
	v21 =	vcvt.s32.f32 v19;
	v19 =	vmul.f32 v17, v1;
	[tilespmem:s29+$0x0] =	vst v60  }
0x83: {  	v18 =	vmul.f32 v17, v2;
	[tilespmem:s30+$0x0] =	vst v61  }
0x84: {  	v62 =	vmul.f32 v20, v15;
	s24 =	sadd.s32 $0x9800, s7;
	[tilespmem:s8+$0x80] =	vst v19  }
0x85: {  	s31 =	sor.u32 s20, s9;
	s6 =	sor.u32 s3, s24;
	v20 =	vmul.f32 v20, v16;
	s28 =	sadd.s32 $0x9880, s7;
	[tilespmem:s8+$0x200] =	vst v18  }
0x86: {  	s16 =	sor.u32 s20, s15;
	s17 =	sor.u32 s20, s22;
	v63 =	vmul.f32 v17, v11;
	s3 =	sor.u32 s3, s28;
	v19 =	vmul.f32 v17, v7;
	[tilespmem:s6+$0x0] =	vst v62  }
0x87: {  	s10 =	sor.u32 s2, s9;
	s11 =	sor.u32 s2, s13;
	s12 =	sor.u32 s2, s14;
	v29 =	vmul.f32 v17, v12;
	[tilespmem:s3+$0x0] =	vst v20;
	v20 =	vmul.f32 v17, v4  }
0x88: {  	s4 =	sor.u32 s2, s22;
	s9 =	sor.u32 s0, s9;
	s18 =	sor.u32 s20, s19;
	v28 =	vmul.f32 v17, v13;
	v26 =	vmul.f32 v17, v14;
	[tilespmem:s8+$0x300] =	vst v19  }
0x89: {  	s23 =	sor.u32 s0, s5;
	s21 =	sor.u32 s20, s24;
	v27 =	vmul.f32 v17, v15;
	[tilespmem:s8+$0x100] =	vst v20;
	v20 =	vmul.f32 v17, v9;
	s8 =	sor.u32 s2, s28  }
0x8a: {  	s26 =	sor.u32 s2, s24;
	v30 =	vmul.f32 v17, v10;
	v23 =	vmul.f32 v17, v16;
	s7 =	sor.u32 s0, s19;
	[dreg:$0x12] =	wrdreg s8  }
0x8b: {  	s29 =	sor.u32 s20, s13;
	s13 =	sor.u32 s0, s13;
	s30 =	sor.u32 s20, s14;
	v22 =	vmul.f32 v21, v0;
	v18 =	vmul.f32 v21, v1;
	[tilespmem:s31+$0x0] =	vst v20  }
0x8c: {  	s20 =	sor.u32 s20, s28;
	v25 =	vmul.f32 v21, v4;
	v33 =	vmul.f32 v21, v7;
	s6 =	sor.u32 s2, s5;
	[dreg:$0x9] =	wrdreg s9  }
0x8d: {  	v31 =	vmul.f32 v21, v8;
	v32 =	vmul.f32 v21, v9;
	s5 =	sor.u32 s2, s15;
	s3 =	sor.u32 s2, s19;
	[dreg:$0x8] =	wrdreg s13  }
0x8e: {  	v19 =	vmul.f32 v21, v3;
	v17 =	vmul.f32 v21, v5;
	s2 =	sor.u32 s0, s28;
	s8 =	sor.u32 s0, s22;
	s31 =	sor.u32 s0, s14;
	[tilespmem:s29+$0x0] =	vst v30  }
0x8f: {  	v20 =	vmul.f32 v21, v2;
	s13 =	sor.u32 s0, s15;
	s9 =	sor.u32 s0, s24;
	s0 =	simm.s32 $0x0;
	v30 =	vmul.f32 v21, v10;
	[tilespmem:s30+$0x0] =	vst v63  }
.LBB2_4:
0x90: {  	[tilespmem:s16+$0x0] =	vst v29  }
0x91: {  	s0 =	sadd.s32 $0x4, s0;
	v34 =	vmul.f32 v21, v11;
	v35 =	vmul.f32 v21, v12;
	s25 =	sadd.s32 $0x40, s25;
	[tilespmem:s6+$0x0] =	vst v22  }
0x92: {  	[smem:$0x7EF] =	sst s13;
	v36 =	vmul.f32 v21, v13;
	v37 =	vmul.f32 v21, v14;
	s13 =	sand.u32 $0x40, s25;
	s1 =	sshll.u32 s0, $0x6;
	[tilespmem:s6+$0x80] =	vst v18  }
0x93: {  	v38 =	vmul.f32 v21, v15;
	v39 =	vmul.f32 v21, v16;
	[tilespmem:s6+$0x100] =	vst v25;
	s15 =	sand.u32 $0x3FFFFE00, s1;
	s14 =	sor.u32 $0x30, s13  }
0x94: {  	v40 =	vmul.f32 v24, v0;
	v41 =	vmul.f32 v24, v1;
	[tilespmem:s6+$0x180] =	vst v19;
	s30 =	sor.u32 s14, s15  }
0x95: {  	v43 =	vmul.f32 v24, v4;
	v44 =	vmul.f32 v24, v3;
	[tilespmem:s6+$0x200] =	vst v20;
	v42 =	vld [tilespmem:s30+$0x180]  }
0x96: {  	v29 =	vmul.f32 v24, v2;
	v25 =	vmul.f32 v24, v9;
	[tilespmem:s17+$0x0] =	vst v28;
	v45 =	vld [tilespmem:s30+$0x100]  }
0x97: {  	[dreg:$0x11] =	wrdreg s7;
	v22 =	vmul.f32 v24, v11;
	v21 =	vmul.f32 v24, v12;
	s7 =	sor.u32 $0x10, s13;
	[tilespmem:s18+$0x0] =	vst v26;
	v46 =	vld [tilespmem:s30+$0x0]  }
0x98: {  	[dreg:$0xf] =	wrdreg s9;
	v20 =	vmul.f32 v24, v13;
	v19 =	vmul.f32 v24, v14;
	s9 =	sor.u32 s7, s15;
	[tilespmem:s21+$0x0] =	vst v27;
	v47 =	vld [tilespmem:s30+$0x80]  }
0x99: {  	v18 =	vmul.f32 v24, v15;
	v28 =	vmul.f32 v24, v5;
	v50 =	vld [tilespmem:s9+$0x0];
	[tilespmem:s6+$0x280] =	vst v17  }
0x9a: {  	v26 =	vmul.f32 v24, v8;
	v27 =	vmul.f32 v24, v7;
	[tilespmem:s20+$0x0] =	vst v23  }
0x9b: {  	s1 =	sor.u32 $0x20, s13;
	s29 =	sor.u32 s13, s15;
	v17 =	vmul.f32 v24, v16;
	v23 =	vmul.f32 v24, v10;
	v24 =	vld [tilespmem:s9+$0x80];
	[tilespmem:s6+$0x300] =	vst v33  }
0x9c: {  	s15 =	sor.u32 s1, s15;
	[tilespmem:s6+$0x380] =	vst v31;
	v48 =	vld [tilespmem:s29+$0x0];
	v45 =	vsub.s32 v45, v6  }
0x9d: {  	v63 =	vld [tilespmem:s15+$0x0];
	[tilespmem:s10+$0x0] =	vst v32;
	v42 =	vsub.s32 v42, v6;
	v46 =	vsub.s32 v46, v6;
	v47 =	vsub.s32 v47, v6  }
0x9e: {  	v31 =	vld [tilespmem:s15+$0x80];
	[tilespmem:s11+$0x0] =	vst v30;
	v56 =	vsub.s32 v50, v6;
	v51 =	vsub.s32 $0x0, v42;
	v52 =	vsub.s32 $0x0, v46  }
0x9f: {  	v30 =	vld [tilespmem:s9+$0x100];
	[tilespmem:s12+$0x0] =	vst v34;
	v53 =	vsub.s32 $0x0, v47;
	v54 =	vsub.s32 $0x0, v45;
	v46 =	vmin.u32 v46, v52  }
0xa0: {  	v49 =	vld [tilespmem:s29+$0x80];
	[tilespmem:s5+$0x0] =	vst v35;
	v47 =	vmin.u32 v47, v53;
	v42 =	vmin.u32 v42, v51;
	v45 =	vmin.u32 v45, v54  }
0xa1: {  	v34 =	vld [tilespmem:s15+$0x100];
	[tilespmem:s4+$0x0] =	vst v36;
	v54 =	vsub.s32 v48, v6;
	vm0 =	vlt.s32 v46, $0x1;
	vm1 =	vlt.s32 v47, $0x1  }
0xa2: {  	v48 =	vld [tilespmem:s15+$0x180];
	[tilespmem:s23+$0x0] =	vst v40;
	vm6 =	vlt.s32 v45, $0x1;
	v46 =	vnsel vm0, $0x1, v46;
	v47 =	vnsel vm1, $0x1, v47  }
0xa3: {  	v32 =	vld [tilespmem:s29+$0x100];
	[tilespmem:s23+$0x80] =	vst v41;
	vm7 =	vlt.s32 v42, $0x1;
	v45 =	vnsel vm6, $0x1, v45;
	v46 =	vadd.s32 v47, v46  }
0xa4: {  	v33 =	vsub.s32 v63, v6;
	[tilespmem:s23+$0x100] =	vst v43;
	v42 =	vnsel vm7, $0x1, v42;
	v45 =	vadd.s32 v45, v46  }
0xa5: {  	v24 =	vsub.s32 v24, v6;
	v31 =	vsub.s32 v31, v6;
	[tilespmem:s23+$0x180] =	vst v44;
	v42 =	vadd.s32 v42, v45  }
0xa6: {  	v60 =	vsub.s32 $0x0, v56;
	v62 =	vsub.s32 $0x0, v33;
	v47 =	vld [tilespmem:s9+$0x180];
	[tilespmem:s3+$0x0] =	vst v37;
	v57 =	vsub.s32 $0x4, v42  }
0xa7: {  	s11 =	sshll.u32 s0, $0x7;
	v55 =	vsub.s32 v49, v6;
	v61 =	vsub.s32 $0x0, v24;
	[tilespmem:s26+$0x0] =	vst v38;
	v38 =	vcvt.s32.f32 v57  }
0xa8: {  	[dreg:$0x10] =	wrdreg s2;
	s12 =	sand.u32 $0x3FFFFC00, s11;
	v63 =	vsub.s32 $0x0, v31;
	v32 =	vsub.s32 v32, v6;
	v40 =	vmin.u32 v56, v60;
	[tilespmem:s23+$0x200] =	vst v29  }
0xa9: {  	s10 =	rddreg [dreg:$0x12];
	s2 =	sadd.s32 $0x7500, s12;
	v33 =	vmin.u32 v33, v62;
	[tilespmem:s23+$0x280] =	vst v28;
	v58 =	vsub.s32 $0x0, v54;
	v52 =	vmul.f32 v38, v0  }
0xaa: {  	v35 =	vld [tilespmem:s29+$0x180];
	s28 =	sadd.s32 $0x9500, s12;
	s29 =	sadd.s32 $0x9580, s12;
	s18 =	sor.u32 s14, s2;
	v59 =	vsub.s32 $0x0, v55;
	v24 =	vmin.u32 v24, v61;
	[tilespmem:s10+$0x0] =	vst v39;
	v53 =	vmul.f32 v38, v1  }
0xab: {  	s30 =	sadd.s32 $0x9680, s12;
	s6 =	sor.u32 s7, s2;
	s19 =	sor.u32 s13, s28;
	v31 =	vmin.u32 v31, v63;
	v36 =	vmin.u32 v54, v58;
	v54 =	vmul.f32 v38, v4;
	[tilespmem:s18+$0x0] =	vst v52  }
0xac: {  	s20 =	sor.u32 s14, s28;
	s21 =	sor.u32 s13, s29;
	s22 =	sor.u32 s14, s29;
	vm9 =	vlt.s32 v40, $0x1;
	v37 =	vmin.u32 v55, v59;
	v55 =	vmul.f32 v38, v3;
	[tilespmem:s18+$0x80] =	vst v53  }
0xad: {  	s15 =	sor.u32 s13, s2;
	s2 =	sor.u32 s1, s2;
	[smem:$0x7F0] =	sst s19;
	vm2 =	vlt.s32 v33, $0x1;
	v30 =	vsub.s32 v30, v6;
	v56 =	vmul.f32 v38, v2;
	[tilespmem:s18+$0x100] =	vst v54  }
0xae: {  	s16 =	sor.u32 s13, s30;
	[smem:$0x7EE] =	sst s2;
	s2 =	sadd.s32 $0x9600, s12;
	v34 =	vsub.s32 v34, v6;
	vm3 =	vlt.s32 v24, $0x1;
	v58 =	vmul.f32 v38, v5;
	[tilespmem:s18+$0x180] =	vst v55  }
0xaf: {  	[smem:$0x7F1] =	sst s21;
	s19 =	sadd.s32 $0x9800, s12;
	s24 =	sor.u32 s13, s2;
	vm5 =	vlt.s32 v31, $0x1;
	v40 =	vnsel vm9, $0x1, v40;
	v61 =	vmul.f32 v38, v7;
	[tilespmem:s18+$0x200] =	vst v56  }
0xb0: {  	s5 =	sor.u32 s14, s30;
	s21 =	sor.u32 s13, s19;
	v33 =	vnsel vm2, $0x1, v33;
	v59 =	vsub.s32 $0x0, v30;
	[smem:$0x7F2] =	sst s24;
	v63 =	vmul.f32 v38, v8;
	[tilespmem:s18+$0x280] =	vst v58  }
0xb1: {  	v60 =	vsub.s32 $0x0, v34;
	v35 =	vsub.s32 v35, v6;
	s9 =	smov.u32 s8;
	s8 =	smov.u32 s25;
	s25 =	smov.u32 s31;
	v50 =	vmul.f32 v38, v9;
	[tilespmem:s18+$0x300] =	vst v61  }
0xb2: {  	vm4 =	vlt.s32 v36, $0x1;
	s31 =	sadd.s32 $0x9700, s12;
	s24 =	sadd.s32 $0x9880, s12;
	v24 =	vnsel vm3, $0x1, v24;
	s26 =	sor.u32 s14, s2;
	v51 =	vmul.f32 v38, v10;
	[tilespmem:s18+$0x380] =	vst v63  }
0xb3: {  	v31 =	vnsel vm5, $0x1, v31;
	vm8 =	vlt.s32 v37, $0x1;
	s17 =	sor.u32 s13, s31;
	s4 =	sor.u32 s7, s31;
	s10 =	sor.u32 s14, s31;
	v52 =	vmul.f32 v38, v11;
	[tilespmem:s20+$0x0] =	vst v50  }
0xb4: {  	v30 =	vmin.u32 v30, v59;
	v34 =	vmin.u32 v34, v60;
	v53 =	vmul.f32 v38, v12;
	s20 =	sor.u32 s13, s24;
	[tilespmem:s22+$0x0] =	vst v51;
	s22 =	sadd.s32 $0x9780, s12;
	s12 =	sor.u32 s14, s19  }
0xb5: {  	v36 =	vnsel vm4, $0x1, v36;
	v57 =	vsub.s32 $0x0, v32;
	v54 =	vmul.f32 v38, v13;
	[tilespmem:s26+$0x0] =	vst v52;
	s18 =	sor.u32 s13, s22;
	s11 =	sor.u32 s14, s22;
	s14 =	sor.u32 s14, s24  }
0xb6: {  	v24 =	vadd.s32 v24, v40;
	v32 =	vmin.u32 v32, v57;
	v57 =	vmul.f32 v38, v14;
	s3 =	sor.u32 s7, s22;
	s26 =	sor.u32 s7, s19;
	s13 =	sor.u32 s1, s29;
	[tilespmem:s5+$0x0] =	vst v53  }
0xb7: {  	v31 =	vadd.s32 v31, v33;
	v49 =	vsub.s32 v48, v6;
	v59 =	vmul.f32 v38, v15;
	s22 =	sor.u32 s1, s22;
	s19 =	sor.u32 s1, s19;
	s5 =	sor.u32 s7, s30;
	[tilespmem:s10+$0x0] =	vst v54  }
0xb8: {  	v37 =	vnsel vm8, $0x1, v37;
	vm11 =	vlt.s32 v30, $0x1;
	v38 =	vmul.f32 v38, v16;
	s10 =	sor.u32 s7, s28;
	[tilespmem:s11+$0x0] =	vst v57;
	s11 =	sor.u32 s7, s29;
	s29 =	sld [smem:$0x7EE]  }
0xb9: {  	vm12 =	vlt.s32 v34, $0x1;
	v29 =	vadd.s32 v37, v36;
	v30 =	vnsel vm11, $0x1, v30;
	[tilespmem:s12+$0x0] =	vst v59;
	s12 =	sor.u32 s7, s2;
	s7 =	sor.u32 s7, s24;
	s2 =	sor.u32 s1, s2  }
0xba: {  	v24 =	vadd.s32 v30, v24;
	v62 =	vsub.s32 v47, v6;
	vm10 =	vlt.s32 v32, $0x1;
	[tilespmem:s14+$0x0] =	vst v38;
	[dreg:$0x12] =	wrdreg s7;
	s7 =	sor.u32 s1, s28;
	s14 =	sor.u32 s1, s30  }
0xbb: {  	[tilespmem:s23+$0x300] =	vst v27;
	v28 =	vnsel vm10, $0x1, v32;
	v55 =	vsub.s32 $0x0, v35;
	v56 =	vsub.s32 $0x0, v62;
	s28 =	sor.u32 s1, s31;
	s1 =	sor.u32 s1, s24;
	s24 =	rddreg [dreg:$0x9]  }
0xbc: {  	[tilespmem:s23+$0x380] =	vst v26;
	v58 =	vsub.s32 $0x0, v49;
	v26 =	vadd.s32 v28, v29;
	v35 =	vmin.u32 v35, v55;
	s23 =	smov.u32 s29;
	s30 =	smov.u32 s7;
	s29 =	rddreg [dreg:$0x8]  }
0xbd: {  	v60 =	vmin.u32 v62, v56;
	v61 =	vmin.u32 v49, v58;
	vm13 =	vlt.s32 v35, $0x1;
	[dreg:$0x9] =	wrdreg s30  }
0xbe: {  	v62 =	vnsel vm12, $0x1, v34;
	vm14 =	vlt.s32 v60, $0x1;
	[tilespmem:s24+$0x0] =	vst v25;
	v25 =	vnsel vm13, $0x1, v35;
	s30 =	smov.u32 s13;
	s13 =	sld [smem:$0x7EF]  }
0xbf: {  	vm15 =	vlt.s32 v61, $0x1;
	v27 =	vadd.s32 v62, v31;
	[tilespmem:s29+$0x0] =	vst v23;
	v23 =	vadd.s32 v25, v26  }
0xc0: {  	v28 =	vnsel vm14, $0x1, v60;
	v29 =	vnsel vm15, $0x1, v61;
	[tilespmem:s25+$0x0] =	vst v22;
	v22 =	vsub.s32 $0x4, v23  }
0xc1: {  	v24 =	vadd.s32 v28, v24;
	v25 =	vadd.s32 v29, v27;
	v22 =	vcvt.s32.f32 v22;
	[tilespmem:s13+$0x0] =	vst v21  }
0xc2: {  	v23 =	vsub.s32 $0x4, v24;
	v24 =	vsub.s32 $0x4, v25;
	s13 =	smov.u32 s14;
	s14 =	rddreg [dreg:$0x11];
	[tilespmem:s9+$0x0] =	vst v20  }
0xc3: {  	s7 =	smov.u32 s22;
	s22 =	rddreg [dreg:$0xf];
	v24 =	vcvt.s32.f32 v24;
	v20 =	vmul.f32 v22, v1;
	[tilespmem:s14+$0x0] =	vst v19  }
0xc4: {  	v21 =	vcvt.s32.f32 v23;
	v23 =	vmul.f32 v22, v3;
	[tilespmem:s22+$0x0] =	vst v18  }
0xc5: {  	v25 =	vmul.f32 v22, v8;
	v30 =	vmul.f32 v22, v9;
	[tilespmem:s15+$0x80] =	vst v20  }
0xc6: {  	v31 =	vmul.f32 v22, v10;
	v63 =	vmul.f32 v22, v11;
	[tilespmem:s15+$0x180] =	vst v23  }
0xc7: {  	s24 =	rddreg [dreg:$0x10];
	v29 =	vmul.f32 v22, v12;
	v19 =	vmul.f32 v22, v0;
	[tilespmem:s15+$0x380] =	vst v25  }
0xc8: {  	v28 =	vmul.f32 v22, v13;
	v18 =	vmul.f32 v22, v4;
	[tilespmem:s24+$0x0] =	vst v17  }
0xc9: {  	v26 =	vmul.f32 v22, v14;
	v20 =	vmul.f32 v22, v7;
	[tilespmem:s15+$0x0] =	vst v19  }
0xca: {  	p0 =	slt.u32 s0, $0x3C;
	s29 =	sld [smem:$0x7F1];
	v27 =	vmul.f32 v22, v15;
	v17 =	vmul.f32 v22, v2;
	[tilespmem:s15+$0x100] =	vst v18  }
0xcb: {  	s25 =	smov.u32 s8;
	s8 =	smov.u32 s28;
	s28 =	sld [smem:$0x7F0];
	v33 =	vmul.f32 v21, v7;
	v19 =	vmul.f32 v22, v5;
	[tilespmem:s15+$0x300] =	vst v20  }
.Ltmp5:
0xcc: {  	[dreg:$0x8] =	wrdreg s30;
	v32 =	vmul.f32 v21, v9;
	v23 =	vmul.f32 v22, v16;
	[tilespmem:s15+$0x200] =	vst v17;
	(pc) =	sbr.rel @p0 .LBB2_4-.Ltmp5, $4  }
0xcd: {  	s30 =	sld [smem:$0x7F2];
	v25 =	vmul.f32 v21, v4;
	v22 =	vmul.f32 v21, v0;
	[tilespmem:s15+$0x280] =	vst v19  }
0xce: {  	v18 =	vmul.f32 v21, v1;
	v20 =	vmul.f32 v21, v2;
	[tilespmem:s28+$0x0] =	vst v30  }
0xcf: {  	v19 =	vmul.f32 v21, v3;
	v17 =	vmul.f32 v21, v5;
	[tilespmem:s29+$0x0] =	vst v31  }
0xd0: {  	s31 =	smov.u32 s2;
	s2 =	smov.u32 s1;
	s9 =	smov.u32 s19;
	v30 =	vmul.f32 v21, v10;
	v31 =	vmul.f32 v21, v8;
	[tilespmem:s30+$0x0] =	vst v63  }
0xd1: {  	[tilespmem:s16+$0x0] =	vst v29  }
0xd2: {  	[tilespmem:s6+$0x0] =	vst v22  }
0xd3: {  	[tilespmem:s6+$0x80] =	vst v18  }
0xd4: {  	[tilespmem:s6+$0x100] =	vst v25  }
0xd5: {  	[tilespmem:s6+$0x180] =	vst v19  }
0xd6: {  	[tilespmem:s6+$0x200] =	vst v20  }
0xd7: {  	[tilespmem:s6+$0x280] =	vst v17  }
0xd8: {  	[tilespmem:s6+$0x300] =	vst v33  }
0xd9: {  	[tilespmem:s17+$0x0] =	vst v28  }
0xda: {  	[tilespmem:s6+$0x380] =	vst v31  }
0xdb: {  	[tilespmem:s18+$0x0] =	vst v26  }
0xdc: {  	[tilespmem:s10+$0x0] =	vst v32  }
0xdd: {  	[tilespmem:s21+$0x0] =	vst v27  }
0xde: {  	v6 =	vmul.f32 v21, v11;
	[tilespmem:s11+$0x0] =	vst v30  }
0xdf: {  	v46 =	vmul.f32 v21, v12;
	[tilespmem:s20+$0x0] =	vst v23  }
0xe0: {  	v47 =	vmul.f32 v21, v13;
	[tilespmem:s12+$0x0] =	vst v6  }
0xe1: {  	v48 =	vmul.f32 v21, v14;
	[tilespmem:s5+$0x0] =	vst v46  }
0xe2: {  	v49 =	vmul.f32 v21, v15;
	[tilespmem:s4+$0x0] =	vst v47  }
0xe3: {  	v0 =	vmul.f32 v24, v0;
	[tilespmem:s3+$0x0] =	vst v48  }
0xe4: {  	v1 =	vmul.f32 v24, v1;
	[tilespmem:s26+$0x0] =	vst v49  }
0xe5: {  	v4 =	vmul.f32 v24, v4;
	s0 =	rddreg [dreg:$0x12];
	[tilespmem:s23+$0x0] =	vst v0  }
0xe6: {  	v51 =	vmul.f32 v24, v3;
	[tilespmem:s23+$0x80] =	vst v1  }
0xe7: {  	v52 =	vmul.f32 v24, v2;
	[tilespmem:s23+$0x100] =	vst v4  }
0xe8: {  	v53 =	vmul.f32 v24, v5;
	[tilespmem:s23+$0x180] =	vst v51  }
0xe9: {  	v54 =	vmul.f32 v24, v7;
	[tilespmem:s23+$0x200] =	vst v52  }
0xea: {  	v55 =	vmul.f32 v24, v8;
	[tilespmem:s23+$0x280] =	vst v53  }
0xeb: {  	v50 =	vmul.f32 v21, v16;
	[tilespmem:s23+$0x300] =	vst v54  }
0xec: {  	[tilespmem:s23+$0x380] =	vst v55  }
0xed: {  	v56 =	vmul.f32 v24, v9;
	[tilespmem:s0+$0x0] =	vst v50  }
0xee: {  	s0 =	rddreg [dreg:$0x9]  }
0xef: {  	v57 =	vmul.f32 v24, v10;
	[tilespmem:s0+$0x0] =	vst v56  }
0xf0: {  	v58 =	vmul.f32 v24, v11;
	s0 =	rddreg [dreg:$0x8]  }
0xf1: {  	v59 =	vmul.f32 v24, v12;
	[tilespmem:s0+$0x0] =	vst v57  }
0xf2: {  	v60 =	vmul.f32 v24, v13;
	[tilespmem:s31+$0x0] =	vst v58  }
0xf3: {  	[tilespmem:s13+$0x0] =	vst v59  }
0xf4: {  	v61 =	vmul.f32 v24, v14;
	s0 =	sld [smem:$0x7F3];
	[tilespmem:s8+$0x0] =	vst v60  }
0xf5: {  	v62 =	vmul.f32 v24, v15;
	s1 =	sld [smem:$0x7F5]  }
0xf6: {  	v63 =	vmul.f32 v24, v16;
	[tilespmem:s7+$0x0] =	vst v61  }
0xf7: {  	[tilespmem:s9+$0x0] =	vst v62;
	s0 =	smul.u32 $0x190000, s0  }
0xf8: {  	s29 =	rddreg [dreg:$0x2];
	[tilespmem:s2+$0x0] =	vst v63;
	s1 =	sshll.u32 s1, $0xE  }
0xf9: {  	s3 =	sld [smem:$0x7FD];
	s0 =	sadd.s32 s0, s1  }
0xfa: {  	s30 =	simm.s32 $0x0;
	s2 =	sld [smem:$0x7F6];
	s0 =	sshrl.u32 s0, $0x3  }
0xfb: {  	s31 =	simm.s32 $0x7500;
	s4 =	sld [smem:$0x7F4];
	s0 =	sadd.s32 s29, s0  }
0xfc: {  	[hbm4b:s0+s30] =	stream.linear.scatter [tilespmem:s31], [sflag:$0x1], $0x4000, $0x38;
	[tilespmem:$0xF500] =	vst v63  }
.LBB2_6:
0xfd: {  	_ = 	snop  }
0xfe: {  	s0 =	sadd.s32 $0x1, s4  }
0xff: {  	p0 =	sge.u32 s0, s3  }
.Ltmp6:
0x100: {  	_ = 	snop;
	(pc) =	sbr.rel @p0 .LBB2_10-.Ltmp6, $1  }
0x101: {  	_ =	sdelay $0x3  }
0x102: {  	s1 =	smulhi.u32 $0x51EB851F, s0;
	_ =	sdelay $0x1  }
0x103: {  	s2 =	sshrl.u32 s1, $0x5  }
0x104: {  	s1 =	smul.u32 $0xFFFFFF9C, s2;
	_ =	sdelay $0x1  }
0x105: {  	s5 =	sadd.s32 s0, s1  }
0x106: {  	p0 =	sne.s32 s5, $0x0  }
0x107: {  	[smem:$0x7E7] =	sst s2;
	s1 =	sshll.u32 @!p0 s2, $0x9  }
0x108: {  	s2 =	rddreg [dreg:$0x0];
	s1 =	sand.u32 @!p0 $0x1FFFFE00, s1  }
0x109: {  	s1 =	sadd.s32 @!p0 s2, s1;
	s2 =	simm.s32 @!p0 $0x0  }
0x10a: {  	[tilespmem:s2], [sflag:$0x3] =	stream.linear.gather @!p0 [hbm4b:s1+s2], $0x1000, $0x38;
	[tilespmem:$0xF500] =	vst v63  }
0x10b: {  	s1 =	simm.s32 @!p0 $0x3  }
0x10c: {  	_ =	swait.ge @!p0 [sflag:s1], $0x1000  }
0x10d: {  	s21 =	sld [smem:$0x7FA];
	_ =	sdelay $0x2  }
0x10e: {  	[sflag:s1] =	ssyncset.done @!p0 $0x0;
	p1 =	slt.u32 s0, s21  }
0x10f: {  	[sflag:s1] =	ssyncadd.s32 @!p0 $0xFFFFF000;
	s0 =	simm.s32 @!p1 $0x2  }
0x110: {  	s23 =	simm.s32 $0x0;
	_ =	swait.ge @!p1 [sflag:s0], $0x4000  }
0x111: {  	s25 =	simm.s32 $0x0;
	s22 =	sshll.u32 s5, $0xA;
	[sflag:s0] =	ssyncset.done @!p1 $0x0  }
0x112: {  	s3 =	sshra.s32 s22, $0x2;
	[sflag:s0] =	ssyncadd.s32 @!p1 $0xFFFFC000;
	s0 =	sand.u32 $0x40, s23  }
0x113: {  	s24 =	simm.s32 $0x0;
	s4 =	sand.u32 $0x3FFFFE00, s25;
	v0 =	vld [tilespmem:s3+$0x1000];
	s26 =	sor.u32 $0x30, s0  }
0x114: {  	[dreg:$0x4] =	wrdreg s24;
	v1 =	vld [tilespmem:s3+$0x1010];
	s14 =	sor.u32 s26, s4  }
0x115: {  	v5 =	vld [tilespmem:s14+$0x180]  }
0x116: {  	v7 =	vld [tilespmem:s14+$0x100]  }
0x117: {  	v8 =	vld [tilespmem:s14+$0x0]  }
0x118: {  	s15 =	sor.u32 s0, s4;
	v9 =	vld [tilespmem:s14+$0x80];
	[smem:$0x7E8] =	sst s5  }
0x119: {  	s2 =	sor.u32 $0x10, s0;
	v10 =	vld [tilespmem:s15+$0x0]  }
0x11a: {  	s7 =	sor.u32 s2, s4;
	v11 =	vld [tilespmem:s15+$0x80]  }
0x11b: {  	v14 =	vld [tilespmem:s7+$0x0]  }
0x11c: {  	v6 =	vmov s5;
	v17 =	vld [tilespmem:s15+$0x100]  }
0x11d: {  	v4 =	vld [tilespmem:s3+$0x1020];
	v7 =	vsub.s32 v7, v6;
	v5 =	vsub.s32 v5, v6  }
0x11e: {  	v3 =	vld [tilespmem:s3+$0x1030];
	s6 =	sor.u32 $0x20, s0;
	v8 =	vsub.s32 v8, v6;
	v9 =	vsub.s32 v9, v6;
	v12 =	vsub.s32 $0x0, v5  }
0x11f: {  	v2 =	vld [tilespmem:s3+$0x1040];
	s4 =	sor.u32 s6, s4;
	v13 =	vsub.s32 $0x0, v8;
	v15 =	vsub.s32 $0x0, v9;
	v16 =	vsub.s32 $0x0, v7  }
0x120: {  	v31 =	vld [tilespmem:s4+$0x180];
	v10 =	vsub.s32 v10, v6;
	v11 =	vsub.s32 v11, v6;
	v14 =	vsub.s32 v14, v6  }
0x121: {  	v17 =	vsub.s32 v17, v6;
	v8 =	vmin.u32 v8, v13;
	v13 =	vld [tilespmem:s7+$0x80];
	v9 =	vmin.u32 v9, v15  }
0x122: {  	v12 =	vmin.u32 v5, v12;
	v5 =	vmin.u32 v7, v16;
	v7 =	vld [tilespmem:s4+$0x0];
	v19 =	vsub.s32 $0x0, v10  }
0x123: {  	v15 =	vld [tilespmem:s4+$0x80];
	v21 =	vsub.s32 $0x0, v11;
	v22 =	vsub.s32 $0x0, v14;
	vm0 =	vlt.s32 v8, $0x1  }
0x124: {  	vm1 =	vlt.s32 v9, $0x1;
	vm2 =	vlt.s32 v5, $0x1;
	v19 =	vmin.u32 v10, v19;
	v10 =	vld [tilespmem:s3+$0x1090]  }
0x125: {  	vm4 =	vlt.s32 v12, $0x1;
	v21 =	vmin.u32 v11, v21;
	v22 =	vmin.u32 v14, v22;
	v11 =	vld [tilespmem:s3+$0x10A0]  }
0x126: {  	v8 =	vnsel vm0, $0x1, v8;
	v9 =	vnsel vm1, $0x1, v9;
	v16 =	vnsel vm2, $0x1, v5;
	v5 =	vld [tilespmem:s3+$0x1050]  }
0x127: {  	v14 =	vsub.s32 $0x0, v17;
	v8 =	vadd.s32 v9, v8;
	v9 =	vnsel vm4, $0x1, v12;
	v12 =	vld [tilespmem:s7+$0x100]  }
0x128: {  	v17 =	vmin.u32 v17, v14;
	v14 =	vld [tilespmem:s3+$0x10D0]  }
0x129: {  	v8 =	vadd.s32 v16, v8;
	v16 =	vld [tilespmem:s4+$0x100]  }
0x12a: {  	v18 =	vsub.s32 v7, v6;
	v7 =	vld [tilespmem:s3+$0x1060]  }
0x12b: {  	v8 =	vadd.s32 v9, v8;
	v13 =	vsub.s32 v13, v6;
	v15 =	vsub.s32 v15, v6;
	v9 =	vld [tilespmem:s3+$0x1080]  }
0x12c: {  	v8 =	vsub.s32 $0x4, v8;
	v23 =	vsub.s32 $0x0, v13;
	v28 =	vsub.s32 v12, v6;
	v12 =	vld [tilespmem:s7+$0x180]  }
0x12d: {  	s16 =	simm.s32 $0x0;
	v25 =	vsub.s32 $0x0, v15;
	v20 =	vcvt.s32.f32 v8;
	v8 =	vld [tilespmem:s3+$0x1070];
	v23 =	vmin.u32 v13, v23  }
0x12e: {  	s4 =	sand.u32 $0x3FFFFC00, s16;
	v25 =	vmin.u32 v15, v25;
	v13 =	vld [tilespmem:s3+$0x10C0];
	v16 =	vsub.s32 v16, v6;
	v15 =	vsub.s32 $0x0, v28  }
0x12f: {  	s14 =	sadd.s32 $0xB500, s4;
	v26 =	vmul.f32 v20, v0;
	v34 =	vsub.s32 $0x0, v16;
	v28 =	vmin.u32 v28, v15;
	v15 =	vld [tilespmem:s3+$0x10E0]  }
0x130: {  	s8 =	sadd.s32 $0xB580, s4;
	s17 =	sor.u32 s26, s14;
	v29 =	vmul.f32 v20, v1;
	v34 =	vmin.u32 v16, v34;
	v16 =	vld [tilespmem:s3+$0x10F0]  }
0x131: {  	s11 =	sadd.s32 $0xB600, s4;
	s18 =	sor.u32 s26, s8;
	v30 =	vmul.f32 v20, v4;
	v36 =	vsub.s32 v12, v6;
	v12 =	vld [tilespmem:s3+$0x10B0];
	[tilespmem:s17+$0x0] =	vst v26  }
0x132: {  	s16 =	sadd.s32 $0xB680, s4;
	v24 =	vsub.s32 $0x0, v18;
	s19 =	sor.u32 s26, s11;
	v32 =	vmul.f32 v20, v3;
	[tilespmem:s18+$0x0] =	vst v29  }
0x133: {  	v27 =	vld [tilespmem:s15+$0x180];
	s28 =	sadd.s32 $0xB700, s4;
	s20 =	sor.u32 s26, s16;
	v18 =	vmin.u32 v18, v24;
	v24 =	vmul.f32 v20, v2;
	[tilespmem:s19+$0x0] =	vst v30  }
0x134: {  	s13 =	sadd.s32 $0xB780, s4;
	s21 =	sor.u32 s26, s28;
	v33 =	vmul.f32 v20, v5;
	[tilespmem:s20+$0x0] =	vst v32  }
0x135: {  	s5 =	sadd.s32 $0xB800, s4;
	s22 =	sor.u32 s26, s13;
	v35 =	vmul.f32 v20, v7;
	[tilespmem:s21+$0x0] =	vst v24  }
0x136: {  	s15 =	sadd.s32 $0xB880, s4;
	s23 =	sor.u32 s26, s5;
	v37 =	vmul.f32 v20, v8;
	[tilespmem:s22+$0x0] =	vst v33  }
0x137: {  	s24 =	sor.u32 s26, s15;
	v38 =	vmul.f32 v20, v9;
	s17 =	sadd.s32 $0xD500, s4;
	[tilespmem:s23+$0x0] =	vst v35  }
0x138: {  	v27 =	vsub.s32 v27, v6;
	v39 =	vmul.f32 v20, v10;
	s9 =	sor.u32 s26, s17;
	s21 =	sadd.s32 $0xD580, s4;
	[tilespmem:s24+$0x0] =	vst v37  }
0x139: {  	v31 =	vsub.s32 v31, v6;
	v40 =	vsub.s32 $0x0, v27;
	s7 =	sadd.s32 $0xD600, s4;
	v26 =	vmul.f32 v20, v11;
	s12 =	sor.u32 s26, s21;
	[tilespmem:s9+$0x0] =	vst v38  }
0x13a: {  	v59 =	vsub.s32 $0x0, v31;
	v27 =	vmin.u32 v27, v40;
	s10 =	sadd.s32 $0xD680, s4;
	s18 =	sor.u32 s26, s7;
	v30 =	vmul.f32 v20, v12;
	[tilespmem:s12+$0x0] =	vst v39  }
0x13b: {  	v31 =	vmin.u32 v31, v59;
	vm5 =	vlt.s32 v19, $0x1;
	v60 =	vmul.f32 v20, v13;
	s19 =	sor.u32 s26, s10;
	s24 =	sadd.s32 $0xD700, s4;
	[tilespmem:s18+$0x0] =	vst v26  }
0x13c: {  	vm6 =	vlt.s32 v21, $0x1;
	vm7 =	vlt.s32 v22, $0x1;
	v19 =	vnsel vm5, $0x1, v19;
	s20 =	sor.u32 s26, s24;
	[tilespmem:s19+$0x0] =	vst v30  }
0x13d: {  	v21 =	vnsel vm6, $0x1, v21;
	vm10 =	vlt.s32 v17, $0x1;
	s25 =	sor.u32 s0, s5;
	v61 =	vmul.f32 v20, v14;
	s9 =	sadd.s32 $0xD780, s4;
	[tilespmem:s20+$0x0] =	vst v60  }
0x13e: {  	vm13 =	vlt.s32 v27, $0x1;
	v19 =	vadd.s32 v21, v19;
	v17 =	vnsel vm10, $0x1, v17;
	s12 =	sor.u32 s26, s9;
	[smem:$0x7E9] =	sst s25  }
0x13f: {  	vm15 =	vlt.s32 v31, $0x1;
	v22 =	vnsel vm7, $0x1, v22;
	v17 =	vadd.s32 v17, v19;
	[tilespmem:s12+$0x0] =	vst v61;
	s12 =	sor.u32 s0, s15  }
0x140: {  	vm3 =	vlt.s32 v23, $0x1;
	vm8 =	vlt.s32 v18, $0x1;
	vm9 =	vlt.s32 v25, $0x1;
	s25 =	sor.u32 s0, s17;
	[smem:$0x7EA] =	sst s12  }
0x141: {  	v23 =	vnsel vm3, $0x1, v23;
	v18 =	vnsel vm8, $0x1, v18;
	s3 =	sadd.s32 $0xD800, s4;
	v62 =	vmul.f32 v20, v15;
	[smem:$0x7EB] =	sst s25;
	s12 =	sor.u32 s0, s21  }
0x142: {  	v21 =	vnsel vm9, $0x1, v25;
	v22 =	vadd.s32 v23, v22;
	vm11 =	vlt.s32 v28, $0x1;
	s22 =	sor.u32 s26, s3;
	[smem:$0x7EC] =	sst s12  }
0x143: {  	v18 =	vadd.s32 v21, v18;
	vm12 =	vlt.s32 v34, $0x1;
	v21 =	vnsel vm11, $0x1, v28;
	s25 =	sor.u32 s0, s7;
	[tilespmem:s22+$0x0] =	vst v62  }
0x144: {  	s29 =	sor.u32 s0, s14;
	s1 =	sor.u32 s0, s10;
	v23 =	vnsel vm12, $0x1, v34;
	v19 =	vadd.s32 v21, v22;
	v21 =	vnsel vm13, $0x1, v27;
	[smem:$0x7ED] =	sst s25  }
0x145: {  	v58 =	vsub.s32 $0x0, v36;
	v17 =	vadd.s32 v21, v17;
	v20 =	vmul.f32 v20, v16;
	s4 =	sadd.s32 $0xD880, s4;
	s22 =	sor.u32 s0, s24;
	[dreg:$0x13] =	wrdreg s1  }
0x146: {  	s30 =	sor.u32 s0, s11;
	v18 =	vadd.s32 v23, v18;
	v23 =	vnsel vm15, $0x1, v31;
	v17 =	vsub.s32 $0x4, v17;
	s23 =	sor.u32 s26, s4;
	[dreg:$0x14] =	wrdreg s22  }
0x147: {  	v29 =	vmin.u32 v36, v58;
	v18 =	vadd.s32 v23, v18;
	v17 =	vcvt.s32.f32 v17;
	s26 =	sor.u32 s0, s16;
	s18 =	sor.u32 s0, s28;
	s25 =	sor.u32 s0, s9;
	[tilespmem:s23+$0x0] =	vst v20  }
0x148: {  	vm14 =	vlt.s32 v29, $0x1;
	v18 =	vsub.s32 $0x4, v18;
	s19 =	sor.u32 s0, s8;
	s1 =	sor.u32 s0, s3;
	[dreg:$0x16] =	wrdreg s25  }
0x149: {  	v22 =	vnsel vm14, $0x1, v29;
	v25 =	vcvt.s32.f32 v18;
	v18 =	vmul.f32 v17, v0;
	s20 =	sor.u32 s0, s13;
	s0 =	sor.u32 s0, s4;
	[dreg:$0x17] =	wrdreg s1  }
0x14a: {  	v19 =	vadd.s32 v22, v19;
	[dreg:$0x18] =	wrdreg s0  }
0x14b: {  	v19 =	vsub.s32 $0x4, v19;
	s12 =	sor.u32 s2, s14;
	[tilespmem:s29+$0x0] =	vst v18  }
0x14c: {  	v21 =	vcvt.s32.f32 v19;
	v19 =	vmul.f32 v17, v1;
	s22 =	sor.u32 s2, s11;
	[dreg:$0x1c] =	wrdreg s12  }
0x14d: {  	[dreg:$0x1a] =	wrdreg s22  }
0x14e: {  	s23 =	sor.u32 s2, s16;
	[tilespmem:s19+$0x0] =	vst v19  }
0x14f: {  	s25 =	sor.u32 s2, s28;
	[dreg:$0x19] =	wrdreg s23  }
0x150: {  	v20 =	vmul.f32 v17, v4;
	s19 =	sor.u32 s2, s13;
	[dreg:$0x1b] =	wrdreg s25  }
0x151: {  	v22 =	vmul.f32 v17, v3;
	[dreg:$0x15] =	wrdreg s19  }
0x152: {  	v18 =	vmul.f32 v17, v2;
	[tilespmem:s30+$0x0] =	vst v20  }
0x153: {  	v23 =	vmul.f32 v17, v5;
	[tilespmem:s26+$0x0] =	vst v22  }
0x154: {  	[tilespmem:s18+$0x0] =	vst v18  }
0x155: {  	[tilespmem:s20+$0x0] =	vst v23  }
0x156: {  	s20 =	sld [smem:$0x7E9]  }
0x157: {  	v19 =	vmul.f32 v17, v7  }
0x158: {  	s31 =	sor.u32 s2, s15  }
0x159: {  	s1 =	smov.u32 s28;
	s28 =	sor.u32 s2, s21;
	s29 =	sor.u32 s2, s17;
	[tilespmem:s20+$0x0] =	vst v19  }
0x15a: {  	s1 =	sor.u32 s6, s1;
	s12 =	sor.u32 s2, s8;
	s0 =	sld [smem:$0x7EA]  }
0x15b: {  	v30 =	vmul.f32 v17, v8;
	s22 =	sor.u32 s2, s9;
	s25 =	sor.u32 s2, s10;
	s23 =	sor.u32 s2, s24  }
0x15c: {  	s19 =	sor.u32 s2, s3;
	s30 =	sor.u32 s2, s5;
	[dreg:$0xb] =	wrdreg s1  }
0x15d: {  	s26 =	sor.u32 s2, s7;
	s18 =	sor.u32 s2, s4;
	s2 =	sor.u32 s6, s13;
	[tilespmem:s0+$0x0] =	vst v30  }
0x15e: {  	[dreg:$0xa] =	wrdreg s2  }
0x15f: {  	s13 =	sor.u32 s6, s5;
	s0 =	sld [smem:$0x7EB]  }
0x160: {  	s15 =	sor.u32 s6, s15;
	v20 =	vmul.f32 v17, v9;
	[dreg:$0x7] =	wrdreg s13  }
0x161: {  	[dreg:$0x6] =	wrdreg s15  }
0x162: {  	v31 =	vmul.f32 v17, v10;
	[tilespmem:s0+$0x0] =	vst v20  }
0x163: {  	v63 =	vmul.f32 v17, v11;
	v29 =	vmul.f32 v17, v12;
	s0 =	sld [smem:$0x7EC]  }
0x164: {  	v28 =	vmul.f32 v17, v13;
	v27 =	vmul.f32 v17, v15;
	s20 =	sor.u32 s6, s17  }
0x165: {  	v24 =	vmul.f32 v21, v0;
	v33 =	vmul.f32 v21, v7;
	[dreg:$0x5] =	wrdreg s20  }
0x166: {  	v32 =	vmul.f32 v21, v9;
	v26 =	vmul.f32 v17, v14;
	s14 =	sor.u32 s6, s14;
	[tilespmem:s0+$0x0] =	vst v31  }
0x167: {  	s11 =	sor.u32 s6, s11;
	s16 =	sor.u32 s6, s16;
	v22 =	vmul.f32 v17, v16;
	v17 =	vmul.f32 v21, v5;
	s0 =	sld [smem:$0x7ED]  }
0x168: {  	s8 =	sor.u32 s6, s8;
	v18 =	vmul.f32 v21, v3;
	s5 =	sor.u32 s6, s9;
	v23 =	vmul.f32 v21, v4;
	s17 =	sor.u32 s6, s21  }
0x169: {  	v19 =	vmul.f32 v21, v1;
	v30 =	vmul.f32 v21, v10;
	s15 =	sor.u32 s6, s7;
	s13 =	sor.u32 s6, s10;
	s10 =	sor.u32 s6, s24  }
0x16a: {  	s7 =	sor.u32 s6, s3;
	s2 =	sor.u32 s6, s4;
	s6 =	simm.s32 $0x0;
	v20 =	vmul.f32 v21, v2;
	v31 =	vmul.f32 v21, v8;
	[tilespmem:s0+$0x0] =	vst v63  }
.LBB2_8:
0x16b: {  	[smem:$0x7DD] =	sst s10  }
0x16c: {  	[smem:$0x7DE] =	sst s7  }
0x16d: {  	[smem:$0x7DB] =	sst s17  }
0x16e: {  	[smem:$0x7DC] =	sst s15  }
0x16f: {  	[dreg:$0xe] =	wrdreg s13  }
0x170: {  	[dreg:$0xc] =	wrdreg s2  }
0x171: {  	s0 =	rddreg [dreg:$0x13]  }
0x172: {  	s1 =	rddreg [dreg:$0x4]  }
0x173: {  	s17 =	rddreg [dreg:$0x14]  }
0x174: {  	s6 =	sadd.s32 $0x4, s6;
	v34 =	vmul.f32 v21, v11;
	v35 =	vmul.f32 v21, v12;
	s20 =	rddreg [dreg:$0x16];
	[tilespmem:s0+$0x0] =	vst v29;
	s1 =	sadd.s32 $0x40, s1  }
0x175: {  	v36 =	vmul.f32 v21, v13;
	v37 =	vmul.f32 v21, v14;
	s15 =	sshll.u32 s6, $0x6;
	[dreg:$0x4] =	wrdreg s1;
	s24 =	sand.u32 $0x40, s1;
	[tilespmem:s17+$0x0] =	vst v28  }
0x176: {  	v38 =	vmul.f32 v21, v15;
	v39 =	vmul.f32 v21, v16;
	s1 =	sand.u32 $0x3FFFFE00, s15;
	s15 =	rddreg [dreg:$0x1c];
	s2 =	sor.u32 $0x30, s24;
	[tilespmem:s20+$0x0] =	vst v26  }
0x177: {  	s7 =	rddreg [dreg:$0x17];
	v40 =	vmul.f32 v25, v0;
	v41 =	vmul.f32 v25, v1;
	[tilespmem:s15+$0x0] =	vst v24;
	s21 =	sor.u32 s2, s1  }
0x178: {  	[dreg:$0xd] =	wrdreg s5;
	v43 =	vmul.f32 v25, v4;
	v44 =	vmul.f32 v25, v3;
	[tilespmem:s7+$0x0] =	vst v27;
	v42 =	vld [tilespmem:s21+$0x180]  }
0x179: {  	s10 =	rddreg [dreg:$0x18];
	v29 =	vmul.f32 v25, v2;
	v21 =	vmul.f32 v25, v12;
	[tilespmem:s12+$0x0] =	vst v19;
	v45 =	vld [tilespmem:s21+$0x100]  }
0x17a: {  	v28 =	vmul.f32 v25, v5;
	s17 =	rddreg [dreg:$0x1a];
	v26 =	vmul.f32 v25, v8;
	[tilespmem:s10+$0x0] =	vst v22;
	v46 =	vld [tilespmem:s21+$0x0]  }
0x17b: {  	v24 =	vmul.f32 v25, v9;
	s20 =	rddreg [dreg:$0x19];
	v27 =	vmul.f32 v25, v7;
	v47 =	vld [tilespmem:s21+$0x80];
	[tilespmem:s17+$0x0] =	vst v23  }
0x17c: {  	s13 =	sor.u32 $0x10, s24;
	s3 =	sor.u32 s24, s1;
	v19 =	vmul.f32 v25, v14;
	v23 =	vmul.f32 v25, v10;
	s21 =	rddreg [dreg:$0x1b];
	[tilespmem:s20+$0x0] =	vst v18  }
0x17d: {  	s5 =	rddreg [dreg:$0x15];
	s4 =	sor.u32 s13, s1;
	v22 =	vmul.f32 v25, v11;
	v48 =	vld [tilespmem:s3+$0x0];
	v18 =	vmul.f32 v25, v15;
	[tilespmem:s21+$0x0] =	vst v20  }
0x17e: {  	s9 =	sor.u32 $0x20, s24;
	v20 =	vmul.f32 v25, v13;
	v50 =	vld [tilespmem:s4+$0x0];
	[tilespmem:s5+$0x0] =	vst v17;
	v17 =	vmul.f32 v25, v16  }
0x17f: {  	s1 =	sor.u32 s9, s1;
	v25 =	vld [tilespmem:s4+$0x80];
	[tilespmem:s30+$0x0] =	vst v33;
	v45 =	vsub.s32 v45, v6;
	v42 =	vsub.s32 v42, v6;
	v46 =	vsub.s32 v46, v6  }
0x180: {  	v63 =	vld [tilespmem:s1+$0x0];
	v47 =	vsub.s32 v47, v6;
	[tilespmem:s31+$0x0] =	vst v31;
	v51 =	vsub.s32 $0x0, v42;
	v52 =	vsub.s32 $0x0, v46  }
0x181: {  	v31 =	vld [tilespmem:s1+$0x80];
	v53 =	vsub.s32 $0x0, v47;
	v54 =	vsub.s32 $0x0, v45;
	[tilespmem:s29+$0x0] =	vst v32;
	v46 =	vmin.u32 v46, v52  }
0x182: {  	v47 =	vmin.u32 v47, v53;
	v42 =	vmin.u32 v42, v51;
	[tilespmem:s28+$0x0] =	vst v30;
	v53 =	vsub.s32 v48, v6;
	v48 =	vld [tilespmem:s1+$0x180]  }
0x183: {  	v45 =	vmin.u32 v45, v54;
	v30 =	vld [tilespmem:s4+$0x100];
	vm0 =	vlt.s32 v46, $0x1;
	vm1 =	vlt.s32 v47, $0x1;
	[tilespmem:s26+$0x0] =	vst v34  }
0x184: {  	s7 =	sshll.u32 s6, $0x7;
	v34 =	vld [tilespmem:s1+$0x100];
	vm6 =	vlt.s32 v45, $0x1;
	[tilespmem:s14+$0x0] =	vst v40;
	v46 =	vnsel vm0, $0x1, v46;
	v47 =	vnsel vm1, $0x1, v47  }
0x185: {  	s0 =	sand.u32 $0x3FFFFC00, s7;
	v49 =	vld [tilespmem:s3+$0x80];
	vm7 =	vlt.s32 v42, $0x1;
	[tilespmem:s25+$0x0] =	vst v35;
	v45 =	vnsel vm6, $0x1, v45;
	v46 =	vadd.s32 v47, v46  }
0x186: {  	s21 =	sadd.s32 $0xB700, s0;
	v32 =	vld [tilespmem:s3+$0x100];
	s14 =	sadd.s32 $0xB500, s0;
	s1 =	sadd.s32 $0xD600, s0;
	v42 =	vnsel vm7, $0x1, v42;
	[tilespmem:s8+$0x0] =	vst v41;
	v45 =	vadd.s32 v45, v46  }
0x187: {  	v35 =	vld [tilespmem:s3+$0x180];
	s8 =	sor.u32 s24, s14;
	s10 =	sor.u32 s2, s14;
	s3 =	sadd.s32 $0xB880, s0;
	[tilespmem:s23+$0x0] =	vst v36;
	v42 =	vadd.s32 v42, v45  }
0x188: {  	v56 =	vsub.s32 v25, v6;
	[tilespmem:s11+$0x0] =	vst v43;
	[dreg:$0x1d] =	wrdreg s8;
	s8 =	sadd.s32 $0xB580, s0;
	s11 =	sadd.s32 $0xB600, s0;
	v25 =	vsub.s32 $0x4, v42  }
0x189: {  	s23 =	sor.u32 s2, s21;
	s7 =	sor.u32 s24, s3;
	v47 =	vld [tilespmem:s4+$0x180];
	[tilespmem:s22+$0x0] =	vst v37;
	s12 =	sor.u32 s24, s8;
	v25 =	vcvt.s32.f32 v25  }
0x18a: {  	[tilespmem:s16+$0x0] =	vst v44;
	s15 =	sor.u32 s2, s8;
	s17 =	sor.u32 s24, s11;
	[smem:$0x7E3] =	sst s7  }
0x18b: {  	v33 =	vsub.s32 v63, v6;
	v54 =	vsub.s32 v49, v6;
	s16 =	sadd.s32 $0xB680, s0;
	s22 =	sor.u32 s24, s21;
	[tilespmem:s19+$0x0] =	vst v38;
	[dreg:$0x1e] =	wrdreg s12;
	v63 =	vmul.f32 v25, v0  }
0x18c: {  	v55 =	vsub.s32 v50, v6;
	v57 =	vsub.s32 $0x0, v53;
	s7 =	sadd.s32 $0xD700, s0;
	[dreg:$0x1f] =	wrdreg s17;
	s19 =	sor.u32 s24, s16;
	[tilespmem:s18+$0x0] =	vst v39;
	v52 =	vmul.f32 v25, v1  }
0x18d: {  	v58 =	vsub.s32 $0x0, v54;
	v36 =	vmin.u32 v53, v57;
	s20 =	sor.u32 s2, s16;
	[smem:$0x7E0] =	sst s22;
	s17 =	sadd.s32 $0xB780, s0;
	v53 =	vmul.f32 v25, v4;
	[tilespmem:s10+$0x0] =	vst v63  }
0x18e: {  	v59 =	vsub.s32 $0x0, v55;
	v37 =	vmin.u32 v54, v58;
	s22 =	sor.u32 s24, s1;
	s18 =	sor.u32 s2, s11;
	[smem:$0x7DF] =	sst s19;
	v54 =	vmul.f32 v25, v3;
	[tilespmem:s15+$0x0] =	vst v52  }
0x18f: {  	v40 =	vmin.u32 v55, v59;
	s25 =	sor.u32 s24, s17;
	[smem:$0x7E6] =	sst s22;
	v55 =	vmul.f32 v25, v2;
	s15 =	sadd.s32 $0xB800, s0;
	[tilespmem:s18+$0x0] =	vst v53  }
0x190: {  	v31 =	vsub.s32 v31, v6;
	v60 =	vsub.s32 $0x0, v56;
	s26 =	sor.u32 s2, s17;
	[smem:$0x7E1] =	sst s25;
	v57 =	vmul.f32 v25, v5;
	s4 =	sor.u32 s24, s15;
	[tilespmem:s20+$0x0] =	vst v54  }
0x191: {  	v62 =	vsub.s32 $0x0, v31;
	v38 =	vmin.u32 v56, v60;
	v60 =	vmul.f32 v25, v7;
	s10 =	sor.u32 s2, s3;
	[smem:$0x7E2] =	sst s4;
	s4 =	sadd.s32 $0xD500, s0;
	[tilespmem:s23+$0x0] =	vst v55  }
0x192: {  	v31 =	vmin.u32 v31, v62;
	v62 =	vmul.f32 v25, v8;
	s5 =	sor.u32 s2, s15;
	s12 =	sor.u32 s24, s4;
	s18 =	sor.u32 s2, s4;
	[tilespmem:s26+$0x0] =	vst v57  }
0x193: {  	v63 =	vsub.s32 v48, v6;
	v48 =	vmul.f32 v25, v9;
	s23 =	sor.u32 s2, s1;
	[smem:$0x7E4] =	sst s12;
	[tilespmem:s5+$0x0] =	vst v60;
	s5 =	sadd.s32 $0xD580, s0  }
0x194: {  	v49 =	vmul.f32 v25, v10;
	[tilespmem:s10+$0x0] =	vst v62;
	s19 =	sor.u32 s24, s5;
	s20 =	sor.u32 s2, s5;
	s10 =	sadd.s32 $0xD680, s0  }
0x195: {  	v50 =	vmul.f32 v25, v11;
	[smem:$0x7E5] =	sst s19;
	[tilespmem:s18+$0x0] =	vst v48;
	s25 =	sor.u32 s24, s10;
	s26 =	sor.u32 s2, s10  }
0x196: {  	s19 =	sadd.s32 $0xD780, s0;
	[tilespmem:s20+$0x0] =	vst v49;
	[dreg:$0x13] =	wrdreg s25;
	s20 =	sor.u32 s24, s7  }
0x197: {  	v51 =	vmul.f32 v25, v12;
	s18 =	sadd.s32 $0xD880, s0;
	[tilespmem:s23+$0x0] =	vst v50;
	[dreg:$0x14] =	wrdreg s20;
	s23 =	sor.u32 s24, s19  }
0x198: {  	s20 =	sadd.s32 $0xD800, s0;
	s0 =	sor.u32 s24, s18;
	[dreg:$0x16] =	wrdreg s23  }
0x199: {  	[tilespmem:s26+$0x0] =	vst v51;
	s26 =	sor.u32 s24, s20;
	[dreg:$0x18] =	wrdreg s0  }
0x19a: {  	s23 =	sor.u32 s13, s14;
	[dreg:$0x17] =	wrdreg s26  }
0x19b: {  	s24 =	sor.u32 s13, s11;
	[dreg:$0x1c] =	wrdreg s23  }
0x19c: {  	v52 =	vmul.f32 v25, v13;
	[dreg:$0x1a] =	wrdreg s24  }
0x19d: {  	v61 =	vsub.s32 $0x0, v33;
	s28 =	sor.u32 s13, s1;
	s22 =	sor.u32 s2, s7;
	v55 =	vmul.f32 v25, v14;
	s23 =	rddreg [dreg:$0xa]  }
0x19e: {  	v33 =	vmin.u32 v33, v61;
	s25 =	sor.u32 s2, s19;
	[tilespmem:s22+$0x0] =	vst v52;
	s26 =	sor.u32 s13, s21;
	s24 =	rddreg [dreg:$0x7]  }
0x19f: {  	vm3 =	vlt.s32 v33, $0x1;
	s31 =	sor.u32 s13, s3;
	v57 =	vmul.f32 v25, v15;
	[tilespmem:s25+$0x0] =	vst v55;
	s25 =	sor.u32 s13, s16;
	[dreg:$0x1b] =	wrdreg s26  }
0x1a0: {  	v33 =	vnsel vm3, $0x1, v33;
	v32 =	vsub.s32 v32, v6;
	vm8 =	vlt.s32 v36, $0x1;
	s30 =	sor.u32 s13, s4;
	s22 =	sor.u32 s2, s20;
	[dreg:$0x19] =	wrdreg s25  }
0x1a1: {  	vm2 =	vlt.s32 v40, $0x1;
	v56 =	vsub.s32 $0x0, v32;
	vm9 =	vlt.s32 v37, $0x1;
	s12 =	sor.u32 s13, s8;
	s21 =	sor.u32 s9, s21;
	[tilespmem:s22+$0x0] =	vst v57;
	s22 =	rddreg [dreg:$0xb]  }
0x1a2: {  	v36 =	vnsel vm8, $0x1, v36;
	v40 =	vnsel vm2, $0x1, v40;
	v25 =	vmul.f32 v25, v16;
	s0 =	sor.u32 s13, s15;
	s2 =	sor.u32 s2, s18;
	[dreg:$0xb] =	wrdreg s21  }
0x1a3: {  	v30 =	vsub.s32 v30, v6;
	v34 =	vsub.s32 v34, v6;
	vm4 =	vlt.s32 v38, $0x1;
	s21 =	sor.u32 s9, s15;
	s15 =	sor.u32 s9, s4;
	s4 =	rddreg [dreg:$0xc]  }
0x1a4: {  	v32 =	vmin.u32 v32, v56;
	vm5 =	vlt.s32 v31, $0x1;
	v37 =	vnsel vm9, $0x1, v37;
	s29 =	sor.u32 s13, s5;
	s26 =	sor.u32 s13, s10;
	[tilespmem:s2+$0x0] =	vst v25;
	[dreg:$0x7] =	wrdreg s21  }
0x1a5: {  	v58 =	vsub.s32 $0x0, v30;
	v59 =	vsub.s32 $0x0, v34;
	v35 =	vsub.s32 v35, v6;
	s25 =	sor.u32 s13, s7;
	s2 =	sor.u32 s13, s17;
	[tilespmem:s22+$0x0] =	vst v29;
	s21 =	rddreg [dreg:$0xe]  }
0x1a6: {  	v38 =	vnsel vm4, $0x1, v38;
	v31 =	vnsel vm5, $0x1, v31;
	vm10 =	vlt.s32 v32, $0x1;
	s22 =	sor.u32 s13, s20;
	[dreg:$0x15] =	wrdreg s2;
	[tilespmem:s23+$0x0] =	vst v28;
	s23 =	sor.u32 s13, s19  }
0x1a7: {  	v30 =	vmin.u32 v30, v58;
	v34 =	vmin.u32 v34, v59;
	v31 =	vadd.s32 v31, v33;
	s2 =	sor.u32 s9, s19;
	[tilespmem:s24+$0x0] =	vst v27;
	s24 =	sor.u32 s13, s18;
	s13 =	rddreg [dreg:$0x6]  }
0x1a8: {  	v61 =	vsub.s32 v47, v6;
	vm11 =	vlt.s32 v30, $0x1;
	vm12 =	vlt.s32 v34, $0x1;
	s19 =	smov.u32 s22;
	s22 =	smov.u32 s23;
	[tilespmem:s13+$0x0] =	vst v26;
	s13 =	rddreg [dreg:$0x5]  }
0x1a9: {  	v30 =	vnsel vm11, $0x1, v30;
	v56 =	vsub.s32 $0x0, v63;
	v54 =	vsub.s32 $0x0, v61;
	s23 =	smov.u32 s25;
	[tilespmem:s13+$0x0] =	vst v24;
	s13 =	sor.u32 s9, s17;
	s17 =	sld [smem:$0x7DB]  }
0x1aa: {  	v53 =	vsub.s32 $0x0, v35;
	v59 =	vmin.u32 v63, v56;
	v58 =	vmin.u32 v61, v54;
	s25 =	smov.u32 s26;
	s26 =	smov.u32 s28;
	s28 =	smov.u32 s29  }
0x1ab: {  	vm15 =	vlt.s32 v59, $0x1;
	v61 =	vnsel vm12, $0x1, v34;
	vm14 =	vlt.s32 v58, $0x1;
	s29 =	smov.u32 s30;
	s30 =	smov.u32 s0;
	s0 =	rddreg [dreg:$0xd]  }
0x1ac: {  	v60 =	vadd.s32 v38, v40;
	v25 =	vmin.u32 v35, v53;
	v29 =	vadd.s32 v37, v36;
	[tilespmem:s17+$0x0] =	vst v23;
	s17 =	sld [smem:$0x7DC]  }
0x1ad: {  	s8 =	sor.u32 s9, s8;
	v28 =	vnsel vm10, $0x1, v32;
	vm13 =	vlt.s32 v25, $0x1;
	v27 =	vadd.s32 v30, v60;
	[dreg:$0xa] =	wrdreg s13  }
0x1ae: {  	v26 =	vadd.s32 v28, v29;
	v28 =	vadd.s32 v61, v31;
	v24 =	vnsel vm13, $0x1, v25;
	s13 =	sor.u32 s9, s3;
	s3 =	sor.u32 s9, s20;
	s20 =	sld [smem:$0x7DD]  }
0x1af: {  	s14 =	sor.u32 s9, s14;
	s11 =	sor.u32 s9, s11;
	v29 =	vnsel vm15, $0x1, v59;
	[dreg:$0x5] =	wrdreg s15;
	v25 =	vnsel vm14, $0x1, v58;
	v23 =	vadd.s32 v24, v26;
	[tilespmem:s17+$0x0] =	vst v22  }
0x1b0: {  	s16 =	sor.u32 s9, s16;
	s15 =	sor.u32 s9, s1;
	s1 =	sld [smem:$0x7DE];
	v24 =	vadd.s32 v25, v27;
	v25 =	vadd.s32 v29, v28;
	v22 =	vsub.s32 $0x4, v23;
	[tilespmem:s21+$0x0] =	vst v21  }
0x1b1: {  	[dreg:$0x6] =	wrdreg s13;
	s13 =	sor.u32 s9, s10;
	s10 =	sor.u32 s9, s7;
	v23 =	vsub.s32 $0x4, v24;
	v24 =	vsub.s32 $0x4, v25;
	v22 =	vcvt.s32.f32 v22;
	[tilespmem:s20+$0x0] =	vst v20  }
0x1b2: {  	s17 =	sor.u32 s9, s5;
	v21 =	vcvt.s32.f32 v23;
	v25 =	vcvt.s32.f32 v24;
	s21 =	sor.u32 s9, s18;
	s9 =	rddreg [dreg:$0x1d];
	[tilespmem:s0+$0x0] =	vst v19  }
0x1b3: {  	s18 =	smov.u32 s24;
	s24 =	sld [smem:$0x7DF];
	v19 =	vmul.f32 v22, v0;
	v20 =	vmul.f32 v22, v1;
	[tilespmem:s1+$0x0] =	vst v18  }
0x1b4: {  	s20 =	rddreg [dreg:$0x1e];
	v23 =	vmul.f32 v22, v3;
	v30 =	vmul.f32 v22, v8;
	[tilespmem:s4+$0x0] =	vst v17  }
0x1b5: {  	s5 =	smov.u32 s2;
	s2 =	smov.u32 s21;
	s21 =	rddreg [dreg:$0x1f];
	v31 =	vmul.f32 v22, v9;
	v18 =	vmul.f32 v22, v4;
	[tilespmem:s9+$0x0] =	vst v19  }
0x1b6: {  	v62 =	vmul.f32 v22, v10;
	v63 =	vmul.f32 v22, v11;
	s1 =	sld [smem:$0x7E0];
	[tilespmem:s20+$0x0] =	vst v20  }
0x1b7: {  	s7 =	smov.u32 s3;
	s3 =	sld [smem:$0x7E1];
	v29 =	vmul.f32 v22, v12;
	v17 =	vmul.f32 v22, v2;
	[tilespmem:s21+$0x0] =	vst v18  }
0x1b8: {  	v28 =	vmul.f32 v22, v13;
	v19 =	vmul.f32 v22, v5;
	s4 =	sld [smem:$0x7E2];
	[tilespmem:s24+$0x0] =	vst v23  }
0x1b9: {  	v26 =	vmul.f32 v22, v14;
	s9 =	sld [smem:$0x7E3];
	v20 =	vmul.f32 v22, v7;
	[tilespmem:s1+$0x0] =	vst v17  }
0x1ba: {  	p0 =	slt.u32 s6, $0x3C;
	v27 =	vmul.f32 v22, v15;
	v24 =	vmul.f32 v21, v0;
	s20 =	sld [smem:$0x7E4];
	[tilespmem:s3+$0x0] =	vst v19  }
.Ltmp7:
0x1bb: {  	v33 =	vmul.f32 v21, v7;
	v32 =	vmul.f32 v21, v9;
	s21 =	sld [smem:$0x7E5];
	[tilespmem:s4+$0x0] =	vst v20;
	(pc) =	sbr.rel @p0 .LBB2_8-.Ltmp7, $4  }
0x1bc: {  	v22 =	vmul.f32 v22, v16;
	v18 =	vmul.f32 v21, v3;
	s24 =	sld [smem:$0x7E6];
	[tilespmem:s9+$0x0] =	vst v30  }
0x1bd: {  	v23 =	vmul.f32 v21, v4;
	v17 =	vmul.f32 v21, v5;
	[tilespmem:s20+$0x0] =	vst v31  }
0x1be: {  	v19 =	vmul.f32 v21, v1;
	v20 =	vmul.f32 v21, v2;
	[tilespmem:s21+$0x0] =	vst v62  }
0x1bf: {  	v30 =	vmul.f32 v21, v10;
	v31 =	vmul.f32 v21, v8;
	[tilespmem:s24+$0x0] =	vst v63  }
0x1c0: {  	s0 =	rddreg [dreg:$0x13]  }
0x1c1: {  	[tilespmem:s0+$0x0] =	vst v29  }
0x1c2: {  	s0 =	rddreg [dreg:$0x14]  }
0x1c3: {  	[tilespmem:s0+$0x0] =	vst v28  }
0x1c4: {  	s0 =	rddreg [dreg:$0x16]  }
0x1c5: {  	[tilespmem:s0+$0x0] =	vst v26  }
0x1c6: {  	s0 =	rddreg [dreg:$0x17]  }
0x1c7: {  	[tilespmem:s0+$0x0] =	vst v27  }
0x1c8: {  	s0 =	rddreg [dreg:$0x18]  }
0x1c9: {  	[tilespmem:s0+$0x0] =	vst v22  }
0x1ca: {  	s0 =	rddreg [dreg:$0x1c]  }
0x1cb: {  	[tilespmem:s0+$0x0] =	vst v24  }
0x1cc: {  	[tilespmem:s12+$0x0] =	vst v19  }
0x1cd: {  	s0 =	rddreg [dreg:$0x1a]  }
0x1ce: {  	[tilespmem:s0+$0x0] =	vst v23  }
0x1cf: {  	s0 =	rddreg [dreg:$0x19]  }
0x1d0: {  	[tilespmem:s0+$0x0] =	vst v18  }
0x1d1: {  	v0 =	vmul.f32 v25, v0;
	s0 =	rddreg [dreg:$0x1b]  }
0x1d2: {  	[tilespmem:s0+$0x0] =	vst v20  }
0x1d3: {  	v1 =	vmul.f32 v25, v1;
	s0 =	rddreg [dreg:$0x15];
	[tilespmem:s14+$0x0] =	vst v0  }
0x1d4: {  	[tilespmem:s0+$0x0] =	vst v17  }
0x1d5: {  	v50 =	vmul.f32 v25, v4;
	[tilespmem:s8+$0x0] =	vst v1  }
0x1d6: {  	[tilespmem:s30+$0x0] =	vst v33  }
0x1d7: {  	v51 =	vmul.f32 v25, v3;
	[tilespmem:s11+$0x0] =	vst v50  }
0x1d8: {  	[tilespmem:s31+$0x0] =	vst v31  }
0x1d9: {  	[tilespmem:s16+$0x0] =	vst v51  }
0x1da: {  	v6 =	vmul.f32 v21, v11;
	[tilespmem:s29+$0x0] =	vst v32  }
0x1db: {  	v45 =	vmul.f32 v21, v12;
	[tilespmem:s28+$0x0] =	vst v30  }
0x1dc: {  	v46 =	vmul.f32 v21, v13;
	[tilespmem:s26+$0x0] =	vst v6  }
0x1dd: {  	v47 =	vmul.f32 v21, v14;
	[tilespmem:s25+$0x0] =	vst v45  }
0x1de: {  	v48 =	vmul.f32 v21, v15;
	[tilespmem:s23+$0x0] =	vst v46  }
0x1df: {  	v49 =	vmul.f32 v21, v16;
	[tilespmem:s22+$0x0] =	vst v47  }
0x1e0: {  	[tilespmem:s19+$0x0] =	vst v48  }
0x1e1: {  	v52 =	vmul.f32 v25, v2;
	[tilespmem:s18+$0x0] =	vst v49  }
0x1e2: {  	s0 =	rddreg [dreg:$0xb]  }
0x1e3: {  	v53 =	vmul.f32 v25, v5;
	[tilespmem:s0+$0x0] =	vst v52  }
0x1e4: {  	s0 =	rddreg [dreg:$0xa]  }
0x1e5: {  	v54 =	vmul.f32 v25, v7;
	[tilespmem:s0+$0x0] =	vst v53  }
0x1e6: {  	s0 =	rddreg [dreg:$0x7]  }
0x1e7: {  	v55 =	vmul.f32 v25, v8;
	[tilespmem:s0+$0x0] =	vst v54  }
0x1e8: {  	s0 =	rddreg [dreg:$0x6]  }
0x1e9: {  	v56 =	vmul.f32 v25, v9;
	[tilespmem:s0+$0x0] =	vst v55  }
0x1ea: {  	v57 =	vmul.f32 v25, v10;
	s0 =	rddreg [dreg:$0x5]  }
0x1eb: {  	v58 =	vmul.f32 v25, v11;
	[tilespmem:s0+$0x0] =	vst v56  }
0x1ec: {  	v59 =	vmul.f32 v25, v12;
	[tilespmem:s17+$0x0] =	vst v57  }
0x1ed: {  	v60 =	vmul.f32 v25, v13;
	[tilespmem:s15+$0x0] =	vst v58  }
0x1ee: {  	[tilespmem:s13+$0x0] =	vst v59  }
0x1ef: {  	s0 =	sld [smem:$0x7E7];
	[tilespmem:s10+$0x0] =	vst v60  }
0x1f0: {  	v61 =	vmul.f32 v25, v14;
	s1 =	sld [smem:$0x7E8]  }
0x1f1: {  	v62 =	vmul.f32 v25, v15  }
0x1f2: {  	v63 =	vmul.f32 v25, v16;
	[tilespmem:s5+$0x0] =	vst v61;
	s0 =	smul.u32 $0x190000, s0  }
.Ltmp8:
0x1f3: {  	[tilespmem:s7+$0x0] =	vst v62;
	s1 =	sshll.u32 s1, $0xE;
	(pc) =	sbr.rel .LBB2_10-.Ltmp8, $4  }
0x1f4: {  	s29 =	rddreg [dreg:$0x2];
	[tilespmem:s2+$0x0] =	vst v63;
	s0 =	sadd.s32 s0, s1  }
0x1f5: {  	s30 =	simm.s32 $0x0;
	s2 =	sld [smem:$0x7F6];
	s0 =	sshrl.u32 s0, $0x3  }
0x1f6: {  	s31 =	simm.s32 $0xB500;
	s3 =	sld [smem:$0x7FD];
	s0 =	sadd.s32 s29, s0  }
0x1f7: {  	[hbm4b:s0+s30] =	stream.linear.scatter [tilespmem:s31], [sflag:$0x2], $0x4000, $0x38;
	[tilespmem:$0xF500] =	vst v63  }
.LBB2_12:
0x1f8: {  	_ =	sfence.sel $0x180000  }
0x1f9: {  	[bflag:$0x0] =	sbarrier.arrive $0xFFFF  }
0x1fa: {  	_ =	strace $0x90000047  }
0x1fb: {  	s0 =	stileid.u32;
	[bflag:$0x2] =	sbarrier.arrive $0xFFFF  }
0x1fc: {  	p0 =	sne.s32 s0, $0x0;
	s0 =	rddreg [dreg:$0x3]  }
0x1fd: {  	s0 =	sadd.s32 @!p0 $0x100000, s0  }
0x1fe: {  	[sflag:s0] =	ssyncadd.tile.s32 @!p0 $0x1;
	_ =	shalt  }
.Lfunc_end2:
_tile_overlayer_lowered:
.L_overlay_start_2:
0x1ff: {  	(tag) =	ssettag $0x2  }
0x200: {  	s0 =	rddreg [dreg:$0x0];
	s2 =	stileid.u32  }
0x201: {  	s1 =	rddreg [dreg:$0x1];
	p0 =	sne.s32 s2, $0x0  }
0x202: {  	s3 =	rddreg [dreg:$0x2];
	[bflag:$0x3] =	sbarrier.arrive $0xFFFF;
	s2 =	simm.s32 @!p0 $0x1C03  }
0x203: {  	[timem:s3], [sflag:s2] =	dma.local @!p0 [hbm:s0], s1  }
0x204: {  	s0 =	simm.s32 @!p0 $0x3  }
0x205: {  	_ =	swait.ge @!p0 [sflag:s0], s1  }
0x206: {  	s1 =	ssub.s32 @!p0 $0x0, s1;
	[sflag:s0] =	ssyncset.done @!p0 $0x0  }
0x207: {  	[sflag:s0] =	ssyncadd.s32 @!p0 s1  }
0x208: {  	[bflag:$0x3] =	sbarrier.arrive $0xFFFF  }
0x209: {  	_ =	shalt  }

</sc_bundles>
